<compile_context>
chip_gen: v7x
topology: tpu7x:2x2x1
jax: 0.10.2.dev20260603
libtpu: 0.0.44.dev20260713+nightly
codegen_flags: <defaults>
</compile_context>

<pallas_src>
import jax
import jax.numpy as jnp
from jax import lax
from jax.experimental import pallas as pl
from jax.experimental.pallas import tpu as pltpu
from jax.experimental.pallas import tpu_sc as plsc

N = 8192
A = 8
D = 256
NC = 2
BLOCK = 32
ROWS_PER_CORE = N // NC


def _sc_tile(e):
    mesh = plsc.ScalarSubcoreMesh(axis_name="core", num_cores=NC)

    @pl.kernel(
        out_type=jax.ShapeDtypeStruct((N, D), jnp.float32),
        mesh=mesh,
        scratch_types=[pltpu.VMEM_SHARED((BLOCK, D), jnp.float32),
                       pltpu.SemaphoreType.DMA],
    )
    def k(e_hbm, o_hbm, shared, sem):
        cid = lax.axis_index("core")
        fills = [
            pltpu.async_copy(e_hbm, shared.at[pl.ds(s * A, A)], sem)
            for s in range(BLOCK // A)
        ]
        for c in fills:
            c.wait()
        writes = [
            pltpu.async_copy(
                shared,
                o_hbm.at[pl.ds(cid * ROWS_PER_CORE + j * BLOCK, BLOCK)],
                sem)
            for j in range(ROWS_PER_CORE // BLOCK)
        ]
        for c in writes:
            c.wait()

    return k(e)


def kernel(x, E_relative_position):
    del x
    return _sc_tile(E_relative_position)

# --- scband reference (transcript-rebuilt; emitter-appended) ---
"""Pipeline reference for scband-relative-position-encoding-61856118997302 (READ-ONLY COPY).

The authoritative reference and input builder live on the scoring server;
editing this copy changes nothing except your own understanding.
"""

import jax, jax.numpy as jnp
import numpy as np

MAX_SEQUENCE_LENGTH = 8192
ATTRIBUTES_NUM = 8
E_DIMS = 256


def setup_inputs(seed: int = 0) -> dict:
    key = jax.random.key(seed)
    k1, k2 = jax.random.split(key)
    x = jax.random.randint(k1, (8192,), 0, 32000, dtype=jnp.int64) if jax.config.jax_enable_x64 else jax.random.randint(k1, (8192,), 0, 32000, dtype=jnp.int32)
    E_relative_position = jax.random.normal(k2, (ATTRIBUTES_NUM, E_DIMS), dtype=jnp.float32)
    return {"x": x, "E_relative_position": E_relative_position}


def reference(x, E_relative_position):
    # Faithful translation of the torch forward:
    #   sequence = zeros(max_sequence_length, E_dims)
    #   for idx, token in enumerate(x): sequence[idx] = E[idx % attributes_num]
    # Token values are never used; only the iteration index matters.
    A, D = E_relative_position.shape
    n = x.shape[0]
    idx = jnp.arange(n)
    rows = jnp.take(E_relative_position, idx % A, axis=0)  # gather
    sequence = jnp.zeros((MAX_SEQUENCE_LENGTH, D), dtype=E_relative_position.dtype)
    sequence = sequence.at[idx].set(rows)  # scatter-overwrite
    return sequence

if __name__ == "__main__":
    import jax
    _d = setup_inputs()
    print(jax.jit(kernel)(*tuple(_d.values())))

</pallas_src>

<mosaic_0001>
#map = affine_map<(d0) -> (0, 0)>
module attributes {stable_mosaic.version = 14 : i64} {
  func.func @k(%arg0: i32, %arg1: memref<8x256xf32, #tpu.memory_space<hbm>>, %arg2: memref<8192x256xf32, #tpu.memory_space<hbm>>, %arg3: memref<32x256xf32, #tpu.memory_space<vmem_shared>>, %arg4: memref<!tpu.dma_semaphore, #tpu.memory_space<semaphore_mem>>) attributes {dimension_semantics = [#tpu.dimension_semantics<core_parallel>], iteration_bounds = array<i64: 2>, scalar_prefetch = 0 : i64, scratch_operands = 2 : i64, tpu.core_type = #tpu.core_type<sc_scalar_subcore>, window_params = [{transform_indices = #map}, {transform_indices = #map}]} {
    %dma_start3A = arith.constant 0 : i32
    %dma_start3A_0 = arith.constant 0 : i32
    %dma_start3A_1 = tpu.memref_slice %arg3[%dma_start3A, %dma_start3A_0] : memref<32x256xf32, #tpu.memory_space<vmem_shared>> -> memref<8x256xf32, #tpu.memory_space<vmem_shared>>
    tpu.enqueue_dma source(%arg1 : memref<8x256xf32, #tpu.memory_space<hbm>>) target(%dma_start3A_1 : memref<8x256xf32, #tpu.memory_space<vmem_shared>>) target_semaphore(%arg4 : memref<!tpu.dma_semaphore, #tpu.memory_space<semaphore_mem>>)
    %dma_start3A_2 = arith.constant 8 : i32
    %dma_start3A_3 = arith.constant 0 : i32
    %dma_start3A_4 = tpu.memref_slice %arg3[%dma_start3A_2, %dma_start3A_3] : memref<32x256xf32, #tpu.memory_space<vmem_shared>> -> memref<8x256xf32, #tpu.memory_space<vmem_shared>>
    tpu.enqueue_dma source(%arg1 : memref<8x256xf32, #tpu.memory_space<hbm>>) target(%dma_start3A_4 : memref<8x256xf32, #tpu.memory_space<vmem_shared>>) target_semaphore(%arg4 : memref<!tpu.dma_semaphore, #tpu.memory_space<semaphore_mem>>)
    %dma_start3A_5 = arith.constant 16 : i32
    %dma_start3A_6 = arith.constant 0 : i32
    %dma_start3A_7 = tpu.memref_slice %arg3[%dma_start3A_5, %dma_start3A_6] : memref<32x256xf32, #tpu.memory_space<vmem_shared>> -> memref<8x256xf32, #tpu.memory_space<vmem_shared>>
    tpu.enqueue_dma source(%arg1 : memref<8x256xf32, #tpu.memory_space<hbm>>) target(%dma_start3A_7 : memref<8x256xf32, #tpu.memory_space<vmem_shared>>) target_semaphore(%arg4 : memref<!tpu.dma_semaphore, #tpu.memory_space<semaphore_mem>>)
    %dma_start3A_8 = arith.constant 24 : i32
    %dma_start3A_9 = arith.constant 0 : i32
    %dma_start3A_10 = tpu.memref_slice %arg3[%dma_start3A_8, %dma_start3A_9] : memref<32x256xf32, #tpu.memory_space<vmem_shared>> -> memref<8x256xf32, #tpu.memory_space<vmem_shared>>
    tpu.enqueue_dma source(%arg1 : memref<8x256xf32, #tpu.memory_space<hbm>>) target(%dma_start3A_10 : memref<8x256xf32, #tpu.memory_space<vmem_shared>>) target_semaphore(%arg4 : memref<!tpu.dma_semaphore, #tpu.memory_space<semaphore_mem>>)
    %dma_wait3A = arith.constant 0 : i32
    %dma_wait3A_11 = arith.constant 0 : i32
    %dma_wait3A_12 = tpu.memref_slice %arg3[%dma_wait3A, %dma_wait3A_11] : memref<32x256xf32, #tpu.memory_space<vmem_shared>> -> memref<8x256xf32, #tpu.memory_space<vmem_shared>>
    tpu.wait_dma2 semaphore(%arg4 : memref<!tpu.dma_semaphore, #tpu.memory_space<semaphore_mem>>) src(%arg1 : memref<8x256xf32, #tpu.memory_space<hbm>>) dst(%dma_wait3A_12 : memref<8x256xf32, #tpu.memory_space<vmem_shared>>)
    %dma_wait3A_13 = arith.constant 8 : i32
    %dma_wait3A_14 = arith.constant 0 : i32
    %dma_wait3A_15 = tpu.memref_slice %arg3[%dma_wait3A_13, %dma_wait3A_14] : memref<32x256xf32, #tpu.memory_space<vmem_shared>> -> memref<8x256xf32, #tpu.memory_space<vmem_shared>>
    tpu.wait_dma2 semaphore(%arg4 : memref<!tpu.dma_semaphore, #tpu.memory_space<semaphore_mem>>) src(%arg1 : memref<8x256xf32, #tpu.memory_space<hbm>>) dst(%dma_wait3A_15 : memref<8x256xf32, #tpu.memory_space<vmem_shared>>)
    %dma_wait3A_16 = arith.constant 16 : i32
    %dma_wait3A_17 = arith.constant 0 : i32
    %dma_wait3A_18 = tpu.memref_slice %arg3[%dma_wait3A_16, %dma_wait3A_17] : memref<32x256xf32, #tpu.memory_space<vmem_shared>> -> memref<8x256xf32, #tpu.memory_space<vmem_shared>>
    tpu.wait_dma2 semaphore(%arg4 : memref<!tpu.dma_semaphore, #tpu.memory_space<semaphore_mem>>) src(%arg1 : memref<8x256xf32, #tpu.memory_space<hbm>>) dst(%dma_wait3A_18 : memref<8x256xf32, #tpu.memory_space<vmem_shared>>)
    %dma_wait3A_19 = arith.constant 24 : i32
    %dma_wait3A_20 = arith.constant 0 : i32
    %dma_wait3A_21 = tpu.memref_slice %arg3[%dma_wait3A_19, %dma_wait3A_20] : memref<32x256xf32, #tpu.memory_space<vmem_shared>> -> memref<8x256xf32, #tpu.memory_space<vmem_shared>>
    tpu.wait_dma2 semaphore(%arg4 : memref<!tpu.dma_semaphore, #tpu.memory_space<semaphore_mem>>) src(%arg1 : memref<8x256xf32, #tpu.memory_space<hbm>>) dst(%dma_wait3A_21 : memref<8x256xf32, #tpu.memory_space<vmem_shared>>)
    %mul3A = arith.constant 4096 : i32
    %mul3A_22 = arith.muli %arg0, %mul3A : i32
    %add3A = arith.constant 0 : i32
    %add3A_23 = arith.addi %mul3A_22, %add3A : i32
    %dma_start3A_24 = arith.constant 0 : i32
    %dma_start3A_25 = tpu.memref_slice %arg2[%add3A_23, %dma_start3A_24] : memref<8192x256xf32, #tpu.memory_space<hbm>> -> memref<32x256xf32, #tpu.memory_space<hbm>>
    tpu.enqueue_dma source(%arg3 : memref<32x256xf32, #tpu.memory_space<vmem_shared>>) target(%dma_start3A_25 : memref<32x256xf32, #tpu.memory_space<hbm>>) target_semaphore(%arg4 : memref<!tpu.dma_semaphore, #tpu.memory_space<semaphore_mem>>)
    %mul3A_26 = arith.constant 4096 : i32
    %mul3A_27 = arith.muli %arg0, %mul3A_26 : i32
    %add3A_28 = arith.constant 32 : i32
    %add3A_29 = arith.addi %mul3A_27, %add3A_28 : i32
    %dma_start3A_30 = arith.constant 0 : i32
    %dma_start3A_31 = tpu.memref_slice %arg2[%add3A_29, %dma_start3A_30] : memref<8192x256xf32, #tpu.memory_space<hbm>> -> memref<32x256xf32, #tpu.memory_space<hbm>>
    tpu.enqueue_dma source(%arg3 : memref<32x256xf32, #tpu.memory_space<vmem_shared>>) target(%dma_start3A_31 : memref<32x256xf32, #tpu.memory_space<hbm>>) target_semaphore(%arg4 : memref<!tpu.dma_semaphore, #tpu.memory_space<semaphore_mem>>)
    %mul3A_32 = arith.constant 4096 : i32
    %mul3A_33 = arith.muli %arg0, %mul3A_32 : i32
    %add3A_34 = arith.constant 64 : i32
    %add3A_35 = arith.addi %mul3A_33, %add3A_34 : i32
    %dma_start3A_36 = arith.constant 0 : i32
    %dma_start3A_37 = tpu.memref_slice %arg2[%add3A_35, %dma_start3A_36] : memref<8192x256xf32, #tpu.memory_space<hbm>> -> memref<32x256xf32, #tpu.memory_space<hbm>>
    tpu.enqueue_dma source(%arg3 : memref<32x256xf32, #tpu.memory_space<vmem_shared>>) target(%dma_start3A_37 : memref<32x256xf32, #tpu.memory_space<hbm>>) target_semaphore(%arg4 : memref<!tpu.dma_semaphore, #tpu.memory_space<semaphore_mem>>)
    %mul3A_38 = arith.constant 4096 : i32
    %mul3A_39 = arith.muli %arg0, %mul3A_38 : i32
    %add3A_40 = arith.constant 96 : i32
    %add3A_41 = arith.addi %mul3A_39, %add3A_40 : i32
    %dma_start3A_42 = arith.constant 0 : i32
    %dma_start3A_43 = tpu.memref_slice %arg2[%add3A_41, %dma_start3A_42] : memref<8192x256xf32, #tpu.memory_space<hbm>> -> memref<32x256xf32, #tpu.memory_space<hbm>>
    tpu.enqueue_dma source(%arg3 : memref<32x256xf32, #tpu.memory_space<vmem_shared>>) target(%dma_start3A_43 : memref<32x256xf32, #tpu.memory_space<hbm>>) target_semaphore(%arg4 : memref<!tpu.dma_semaphore, #tpu.memory_space<semaphore_mem>>)
    %mul3A_44 = arith.constant 4096 : i32
    %mul3A_45 = arith.muli %arg0, %mul3A_44 : i32
    %add3A_46 = arith.constant 128 : i32
    %add3A_47 = arith.addi %mul3A_45, %add3A_46 : i32
    %dma_start3A_48 = arith.constant 0 : i32
    %dma_start3A_49 = tpu.memref_slice %arg2[%add3A_47, %dma_start3A_48] : memref<8192x256xf32, #tpu.memory_space<hbm>> -> memref<32x256xf32, #tpu.memory_space<hbm>>
    tpu.enqueue_dma source(%arg3 : memref<32x256xf32, #tpu.memory_space<vmem_shared>>) target(%dma_start3A_49 : memref<32x256xf32, #tpu.memory_space<hbm>>) target_semaphore(%arg4 : memref<!tpu.dma_semaphore, #tpu.memory_space<semaphore_mem>>)
    %mul3A_50 = arith.constant 4096 : i32
    %mul3A_51 = arith.muli %arg0, %mul3A_50 : i32
    %add3A_52 = arith.constant 160 : i32
    %add3A_53 = arith.addi %mul3A_51, %add3A_52 : i32
    %dma_start3A_54 = arith.constant 0 : i32
    %dma_start3A_55 = tpu.memref_slice %arg2[%add3A_53, %dma_start3A_54] : memref<8192x256xf32, #tpu.memory_space<hbm>> -> memref<32x256xf32, #tpu.memory_space<hbm>>
    tpu.enqueue_dma source(%arg3 : memref<32x256xf32, #tpu.memory_space<vmem_shared>>) target(%dma_start3A_55 : memref<32x256xf32, #tpu.memory_space<hbm>>) target_semaphore(%arg4 : memref<!tpu.dma_semaphore, #tpu.memory_space<semaphore_mem>>)
    %mul3A_56 = arith.constant 4096 : i32
    %mul3A_57 = arith.muli %arg0, %mul3A_56 : i32
    %add3A_58 = arith.constant 192 : i32
    %add3A_59 = arith.addi %mul3A_57, %add3A_58 : i32
    %dma_start3A_60 = arith.constant 0 : i32
    %dma_start3A_61 = tpu.memref_slice %arg2[%add3A_59, %dma_start3A_60] : memref<8192x256xf32, #tpu.memory_space<hbm>> -> memref<32x256xf32, #tpu.memory_space<hbm>>
    tpu.enqueue_dma source(%arg3 : memref<32x256xf32, #tpu.memory_space<vmem_shared>>) target(%dma_start3A_61 : memref<32x256xf32, #tpu.memory_space<hbm>>) target_semaphore(%arg4 : memref<!tpu.dma_semaphore, #tpu.memory_space<semaphore_mem>>)
    %mul3A_62 = arith.constant 4096 : i32
    %mul3A_63 = arith.muli %arg0, %mul3A_62 : i32
    %add3A_64 = arith.constant 224 : i32
    %add3A_65 = arith.addi %mul3A_63, %add3A_64 : i32
    %dma_start3A_66 = arith.constant 0 : i32
    %dma_start3A_67 = tpu.memref_slice %arg2[%add3A_65, %dma_start3A_66] : memref<8192x256xf32, #tpu.memory_space<hbm>> -> memref<32x256xf32, #tpu.memory_space<hbm>>
    tpu.enqueue_dma source(%arg3 : memref<32x256xf32, #tpu.memory_space<vmem_shared>>) target(%dma_start3A_67 : memref<32x256xf32, #tpu.memory_space<hbm>>) target_semaphore(%arg4 : memref<!tpu.dma_semaphore, #tpu.memory_space<semaphore_mem>>)
    %mul3A_68 = arith.constant 4096 : i32
    %mul3A_69 = arith.muli %arg0, %mul3A_68 : i32
    %add3A_70 = arith.constant 256 : i32
    %add3A_71 = arith.addi %mul3A_69, %add3A_70 : i32
    %dma_start3A_72 = arith.constant 0 : i32
    %dma_start3A_73 = tpu.memref_slice %arg2[%add3A_71, %dma_start3A_72] : memref<8192x256xf32, #tpu.memory_space<hbm>> -> memref<32x256xf32, #tpu.memory_space<hbm>>
    tpu.enqueue_dma source(%arg3 : memref<32x256xf32, #tpu.memory_space<vmem_shared>>) target(%dma_start3A_73 : memref<32x256xf32, #tpu.memory_space<hbm>>) target_semaphore(%arg4 : memref<!tpu.dma_semaphore, #tpu.memory_space<semaphore_mem>>)
    %mul3A_74 = arith.constant 4096 : i32
    %mul3A_75 = arith.muli %arg0, %mul3A_74 : i32
    %add3A_76 = arith.constant 288 : i32
    %add3A_77 = arith.addi %mul3A_75, %add3A_76 : i32
    %dma_start3A_78 = arith.constant 0 : i32
    %dma_start3A_79 = tpu.memref_slice %arg2[%add3A_77, %dma_start3A_78] : memref<8192x256xf32, #tpu.memory_space<hbm>> -> memref<32x256xf32, #tpu.memory_space<hbm>>
    tpu.enqueue_dma source(%arg3 : memref<32x256xf32, #tpu.memory_space<vmem_shared>>) target(%dma_start3A_79 : memref<32x256xf32, #tpu.memory_space<hbm>>) target_semaphore(%arg4 : memref<!tpu.dma_semaphore, #tpu.memory_space<semaphore_mem>>)
    %mul3A_80 = arith.constant 4096 : i32
    %mul3A_81 = arith.muli %arg0, %mul3A_80 : i32
    %add3A_82 = arith.constant 320 : i32
    %add3A_83 = arith.addi %mul3A_81, %add3A_82 : i32
    %dma_start3A_84 = arith.constant 0 : i32
    %dma_start3A_85 = tpu.memref_slice %arg2[%add3A_83, %dma_start3A_84] : memref<8192x256xf32, #tpu.memory_space<hbm>> -> memref<32x256xf32, #tpu.memory_space<hbm>>
    tpu.enqueue_dma source(%arg3 : memref<32x256xf32, #tpu.memory_space<vmem_shared>>) target(%dma_start3A_85 : memref<32x256xf32, #tpu.memory_space<hbm>>) target_semaphore(%arg4 : memref<!tpu.dma_semaphore, #tpu.memory_space<semaphore_mem>>)
    %mul3A_86 = arith.constant 4096 : i32
    %mul3A_87 = arith.muli %arg0, %mul3A_86 : i32
    %add3A_88 = arith.constant 352 : i32
    %add3A_89 = arith.addi %mul3A_87, %add3A_88 : i32
    %dma_start3A_90 = arith.constant 0 : i32
    %dma_start3A_91 = tpu.memref_slice %arg2[%add3A_89, %dma_start3A_90] : memref<8192x256xf32, #tpu.memory_space<hbm>> -> memref<32x256xf32, #tpu.memory_space<hbm>>
    tpu.enqueue_dma source(%arg3 : memref<32x256xf32, #tpu.memory_space<vmem_shared>>) target(%dma_start3A_91 : memref<32x256xf32, #tpu.memory_space<hbm>>) target_semaphore(%arg4 : memref<!tpu.dma_semaphore, #tpu.memory_space<semaphore_mem>>)
    %mul3A_92 = arith.constant 4096 : i32
    %mul3A_93 = arith.muli %arg0, %mul3A_92 : i32
    %add3A_94 = arith.constant 384 : i32
    %add3A_95 = arith.addi %mul3A_93, %add3A_94 : i32
    %dma_start3A_96 = arith.constant 0 : i32
    %dma_start3A_97 = tpu.memref_slice %arg2[%add3A_95, %dma_start3A_96] : memref<8192x256xf32, #tpu.memory_space<hbm>> -> memref<32x256xf32, #tpu.memory_space<hbm>>
    tpu.enqueue_dma source(%arg3 : memref<32x256xf32, #tpu.memory_space<vmem_shared>>) target(%dma_start3A_97 : memref<32x256xf32, #tpu.memory_space<hbm>>) target_semaphore(%arg4 : memref<!tpu.dma_semaphore, #tpu.memory_space<semaphore_mem>>)
    %mul3A_98 = arith.constant 4096 : i32
    %mul3A_99 = arith.muli %arg0, %mul3A_98 : i32
    %add3A_100 = arith.constant 416 : i32
    %add3A_101 = arith.addi %mul3A_99, %add3A_100 : i32
    %dma_start3A_102 = arith.constant 0 : i32
    %dma_start3A_103 = tpu.memref_slice %arg2[%add3A_101, %dma_start3A_102] : memref<8192x256xf32, #tpu.memory_space<hbm>> -> memref<32x256xf32, #tpu.memory_space<hbm>>
    tpu.enqueue_dma source(%arg3 : memref<32x256xf32, #tpu.memory_space<vmem_shared>>) target(%dma_start3A_103 : memref<32x256xf32, #tpu.memory_space<hbm>>) target_semaphore(%arg4 : memref<!tpu.dma_semaphore, #tpu.memory_space<semaphore_mem>>)
    %mul3A_104 = arith.constant 4096 : i32
    %mul3A_105 = arith.muli %arg0, %mul3A_104 : i32
    %add3A_106 = arith.constant 448 : i32
    %add3A_107 = arith.addi %mul3A_105, %add3A_106 : i32
    %dma_start3A_108 = arith.constant 0 : i32
    %dma_start3A_109 = tpu.memref_slice %arg2[%add3A_107, %dma_start3A_108] : memref<8192x256xf32, #tpu.memory_space<hbm>> -> memref<32x256xf32, #tpu.memory_space<hbm>>
    tpu.enqueue_dma source(%arg3 : memref<32x256xf32, #tpu.memory_space<vmem_shared>>) target(%dma_start3A_109 : memref<32x256xf32, #tpu.memory_space<hbm>>) target_semaphore(%arg4 : memref<!tpu.dma_semaphore, #tpu.memory_space<semaphore_mem>>)
    %mul3A_110 = arith.constant 4096 : i32
    %mul3A_111 = arith.muli %arg0, %mul3A_110 : i32
    %add3A_112 = arith.constant 480 : i32
    %add3A_113 = arith.addi %mul3A_111, %add3A_112 : i32
    %dma_start3A_114 = arith.constant 0 : i32
    %dma_start3A_115 = tpu.memref_slice %arg2[%add3A_113, %dma_start3A_114] : memref<8192x256xf32, #tpu.memory_space<hbm>> -> memref<32x256xf32, #tpu.memory_space<hbm>>
    tpu.enqueue_dma source(%arg3 : memref<32x256xf32, #tpu.memory_space<vmem_shared>>) target(%dma_start3A_115 : memref<32x256xf32, #tpu.memory_space<hbm>>) target_semaphore(%arg4 : memref<!tpu.dma_semaphore, #tpu.memory_space<semaphore_mem>>)
    %mul3A_116 = arith.constant 4096 : i32
    %mul3A_117 = arith.muli %arg0, %mul3A_116 : i32
    %add3A_118 = arith.constant 512 : i32
    %add3A_119 = arith.addi %mul3A_117, %add3A_118 : i32
    %dma_start3A_120 = arith.constant 0 : i32
    %dma_start3A_121 = tpu.memref_slice %arg2[%add3A_119, %dma_start3A_120] : memref<8192x256xf32, #tpu.memory_space<hbm>> -> memref<32x256xf32, #tpu.memory_space<hbm>>
    tpu.enqueue_dma source(%arg3 : memref<32x256xf32, #tpu.memory_space<vmem_shared>>) target(%dma_start3A_121 : memref<32x256xf32, #tpu.memory_space<hbm>>) target_semaphore(%arg4 : memref<!tpu.dma_semaphore, #tpu.memory_space<semaphore_mem>>)
    %mul3A_122 = arith.constant 4096 : i32
    %mul3A_123 = arith.muli %arg0, %mul3A_122 : i32
    %add3A_124 = arith.constant 544 : i32
    %add3A_125 = arith.addi %mul3A_123, %add3A_124 : i32
    %dma_start3A_126 = arith.constant 0 : i32
    %dma_start3A_127 = tpu.memref_slice %arg2[%add3A_125, %dma_start3A_126] : memref<8192x256xf32, #tpu.memory_space<hbm>> -> memref<32x256xf32, #tpu.memory_space<hbm>>
    tpu.enqueue_dma source(%arg3 : memref<32x256xf32, #tpu.memory_space<vmem_shared>>) target(%dma_start3A_127 : memref<32x256xf32, #tpu.memory_space<hbm>>) target_semaphore(%arg4 : memref<!tpu.dma_semaphore, #tpu.memory_space<semaphore_mem>>)
    %mul3A_128 = arith.constant 4096 : i32
    %mul3A_129 = arith.muli %arg0, %mul3A_128 : i32
    %add3A_130 = arith.constant 576 : i32
    %add3A_131 = arith.addi %mul3A_129, %add3A_130 : i32
    %dma_start3A_132 = arith.constant 0 : i32
    %dma_start3A_133 = tpu.memref_slice %arg2[%add3A_131, %dma_start3A_132] : memref<8192x256xf32, #tpu.memory_space<hbm>> -> memref<32x256xf32, #tpu.memory_space<hbm>>
    tpu.enqueue_dma source(%arg3 : memref<32x256xf32, #tpu.memory_space<vmem_shared>>) target(%dma_start3A_133 : memref<32x256xf32, #tpu.memory_space<hbm>>) target_semaphore(%arg4 : memref<!tpu.dma_semaphore, #tpu.memory_space<semaphore_mem>>)
    %mul3A_134 = arith.constant 4096 : i32
    %mul3A_135 = arith.muli %arg0, %mul3A_134 : i32
    %add3A_136 = arith.constant 608 : i32
    %add3A_137 = arith.addi %mul3A_135, %add3A_136 : i32
    %dma_start3A_138 = arith.constant 0 : i32
    %dma_start3A_139 = tpu.memref_slice %arg2[%add3A_137, %dma_start3A_138] : memref<8192x256xf32, #tpu.memory_space<hbm>> -> memref<32x256xf32, #tpu.memory_space<hbm>>
    tpu.enqueue_dma source(%arg3 : memref<32x256xf32, #tpu.memory_space<vmem_shared>>) target(%dma_start3A_139 : memref<32x256xf32, #tpu.memory_space<hbm>>) target_semaphore(%arg4 : memref<!tpu.dma_semaphore, #tpu.memory_space<semaphore_mem>>)
    %mul3A_140 = arith.constant 4096 : i32
    %mul3A_141 = arith.muli %arg0, %mul3A_140 : i32
    %add3A_142 = arith.constant 640 : i32
    %add3A_143 = arith.addi %mul3A_141, %add3A_142 : i32
    %dma_start3A_144 = arith.constant 0 : i32
    %dma_start3A_145 = tpu.memref_slice %arg2[%add3A_143, %dma_start3A_144] : memref<8192x256xf32, #tpu.memory_space<hbm>> -> memref<32x256xf32, #tpu.memory_space<hbm>>
    tpu.enqueue_dma source(%arg3 : memref<32x256xf32, #tpu.memory_space<vmem_shared>>) target(%dma_start3A_145 : memref<32x256xf32, #tpu.memory_space<hbm>>) target_semaphore(%arg4 : memref<!tpu.dma_semaphore, #tpu.memory_space<semaphore_mem>>)
    %mul3A_146 = arith.constant 4096 : i32
    %mul3A_147 = arith.muli %arg0, %mul3A_146 : i32
    %add3A_148 = arith.constant 672 : i32
    %add3A_149 = arith.addi %mul3A_147, %add3A_148 : i32
    %dma_start3A_150 = arith.constant 0 : i32
    %dma_start3A_151 = tpu.memref_slice %arg2[%add3A_149, %dma_start3A_150] : memref<8192x256xf32, #tpu.memory_space<hbm>> -> memref<32x256xf32, #tpu.memory_space<hbm>>
    tpu.enqueue_dma source(%arg3 : memref<32x256xf32, #tpu.memory_space<vmem_shared>>) target(%dma_start3A_151 : memref<32x256xf32, #tpu.memory_space<hbm>>) target_semaphore(%arg4 : memref<!tpu.dma_semaphore, #tpu.memory_space<semaphore_mem>>)
    %mul3A_152 = arith.constant 4096 : i32
    %mul3A_153 = arith.muli %arg0, %mul3A_152 : i32
    %add3A_154 = arith.constant 704 : i32
    %add3A_155 = arith.addi %mul3A_153, %add3A_154 : i32
    %dma_start3A_156 = arith.constant 0 : i32
    %dma_start3A_157 = tpu.memref_slice %arg2[%add3A_155, %dma_start3A_156] : memref<8192x256xf32, #tpu.memory_space<hbm>> -> memref<32x256xf32, #tpu.memory_space<hbm>>
    tpu.enqueue_dma source(%arg3 : memref<32x256xf32, #tpu.memory_space<vmem_shared>>) target(%dma_start3A_157 : memref<32x256xf32, #tpu.memory_space<hbm>>) target_semaphore(%arg4 : memref<!tpu.dma_semaphore, #tpu.memory_space<semaphore_mem>>)
    %mul3A_158 = arith.constant 4096 : i32
    %mul3A_159 = arith.muli %arg0, %mul3A_158 : i32
    %add3A_160 = arith.constant 736 : i32
    %add3A_161 = arith.addi %mul3A_159, %add3A_160 : i32
    %dma_start3A_162 = arith.constant 0 : i32
    %dma_start3A_163 = tpu.memref_slice %arg2[%add3A_161, %dma_start3A_162] : memref<8192x256xf32, #tpu.memory_space<hbm>> -> memref<32x256xf32, #tpu.memory_space<hbm>>
    tpu.enqueue_dma source(%arg3 : memref<32x256xf32, #tpu.memory_space<vmem_shared>>) target(%dma_start3A_163 : memref<32x256xf32, #tpu.memory_space<hbm>>) target_semaphore(%arg4 : memref<!tpu.dma_semaphore, #tpu.memory_space<semaphore_mem>>)
    %mul3A_164 = arith.constant 4096 : i32
    %mul3A_165 = arith.muli %arg0, %mul3A_164 : i32
    %add3A_166 = arith.constant 768 : i32
    %add3A_167 = arith.addi %mul3A_165, %add3A_166 : i32
    %dma_start3A_168 = arith.constant 0 : i32
    %dma_start3A_169 = tpu.memref_slice %arg2[%add3A_167, %dma_start3A_168] : memref<8192x256xf32, #tpu.memory_space<hbm>> -> memref<32x256xf32, #tpu.memory_space<hbm>>
    tpu.enqueue_dma source(%arg3 : memref<32x256xf32, #tpu.memory_space<vmem_shared>>) target(%dma_start3A_169 : memref<32x256xf32, #tpu.memory_space<hbm>>) target_semaphore(%arg4 : memref<!tpu.dma_semaphore, #tpu.memory_space<semaphore_mem>>)
    %mul3A_170 = arith.constant 4096 : i32
    %mul3A_171 = arith.muli %arg0, %mul3A_170 : i32
    %add3A_172 = arith.constant 800 : i32
    %add3A_173 = arith.addi %mul3A_171, %add3A_172 : i32
    %dma_start3A_174 = arith.constant 0 : i32
    %dma_start3A_175 = tpu.memref_slice %arg2[%add3A_173, %dma_start3A_174] : memref<8192x256xf32, #tpu.memory_space<hbm>> -> memref<32x256xf32, #tpu.memory_space<hbm>>
    tpu.enqueue_dma source(%arg3 : memref<32x256xf32, #tpu.memory_space<vmem_shared>>) target(%dma_start3A_175 : memref<32x256xf32, #tpu.memory_space<hbm>>) target_semaphore(%arg4 : memref<!tpu.dma_semaphore, #tpu.memory_space<semaphore_mem>>)
    %mul3A_176 = arith.constant 4096 : i32
    %mul3A_177 = arith.muli %arg0, %mul3A_176 : i32
    %add3A_178 = arith.constant 832 : i32
    %add3A_179 = arith.addi %mul3A_177, %add3A_178 : i32
    %dma_start3A_180 = arith.constant 0 : i32
    %dma_start3A_181 = tpu.memref_slice %arg2[%add3A_179, %dma_start3A_180] : memref<8192x256xf32, #tpu.memory_space<hbm>> -> memref<32x256xf32, #tpu.memory_space<hbm>>
    tpu.enqueue_dma source(%arg3 : memref<32x256xf32, #tpu.memory_space<vmem_shared>>) target(%dma_start3A_181 : memref<32x256xf32, #tpu.memory_space<hbm>>) target_semaphore(%arg4 : memref<!tpu.dma_semaphore, #tpu.memory_space<semaphore_mem>>)
    %mul3A_182 = arith.constant 4096 : i32
    %mul3A_183 = arith.muli %arg0, %mul3A_182 : i32
    %add3A_184 = arith.constant 864 : i32
    %add3A_185 = arith.addi %mul3A_183, %add3A_184 : i32
    %dma_start3A_186 = arith.constant 0 : i32
    %dma_start3A_187 = tpu.memref_slice %arg2[%add3A_185, %dma_start3A_186] : memref<8192x256xf32, #tpu.memory_space<hbm>> -> memref<32x256xf32, #tpu.memory_space<hbm>>
    tpu.enqueue_dma source(%arg3 : memref<32x256xf32, #tpu.memory_space<vmem_shared>>) target(%dma_start3A_187 : memref<32x256xf32, #tpu.memory_space<hbm>>) target_semaphore(%arg4 : memref<!tpu.dma_semaphore, #tpu.memory_space<semaphore_mem>>)
    %mul3A_188 = arith.constant 4096 : i32
    %mul3A_189 = arith.muli %arg0, %mul3A_188 : i32
    %add3A_190 = arith.constant 896 : i32
    %add3A_191 = arith.addi %mul3A_189, %add3A_190 : i32
    %dma_start3A_192 = arith.constant 0 : i32
    %dma_start3A_193 = tpu.memref_slice %arg2[%add3A_191, %dma_start3A_192] : memref<8192x256xf32, #tpu.memory_space<hbm>> -> memref<32x256xf32, #tpu.memory_space<hbm>>
    tpu.enqueue_dma source(%arg3 : memref<32x256xf32, #tpu.memory_space<vmem_shared>>) target(%dma_start3A_193 : memref<32x256xf32, #tpu.memory_space<hbm>>) target_semaphore(%arg4 : memref<!tpu.dma_semaphore, #tpu.memory_space<semaphore_mem>>)
    %mul3A_194 = arith.constant 4096 : i32
    %mul3A_195 = arith.muli %arg0, %mul3A_194 : i32
    %add3A_196 = arith.constant 928 : i32
    %add3A_197 = arith.addi %mul3A_195, %add3A_196 : i32
    %dma_start3A_198 = arith.constant 0 : i32
    %dma_start3A_199 = tpu.memref_slice %arg2[%add3A_197, %dma_start3A_198] : memref<8192x256xf32, #tpu.memory_space<hbm>> -> memref<32x256xf32, #tpu.memory_space<hbm>>
    tpu.enqueue_dma source(%arg3 : memref<32x256xf32, #tpu.memory_space<vmem_shared>>) target(%dma_start3A_199 : memref<32x256xf32, #tpu.memory_space<hbm>>) target_semaphore(%arg4 : memref<!tpu.dma_semaphore, #tpu.memory_space<semaphore_mem>>)
    %mul3A_200 = arith.constant 4096 : i32
    %mul3A_201 = arith.muli %arg0, %mul3A_200 : i32
    %add3A_202 = arith.constant 960 : i32
    %add3A_203 = arith.addi %mul3A_201, %add3A_202 : i32
    %dma_start3A_204 = arith.constant 0 : i32
    %dma_start3A_205 = tpu.memref_slice %arg2[%add3A_203, %dma_start3A_204] : memref<8192x256xf32, #tpu.memory_space<hbm>> -> memref<32x256xf32, #tpu.memory_space<hbm>>
    tpu.enqueue_dma source(%arg3 : memref<32x256xf32, #tpu.memory_space<vmem_shared>>) target(%dma_start3A_205 : memref<32x256xf32, #tpu.memory_space<hbm>>) target_semaphore(%arg4 : memref<!tpu.dma_semaphore, #tpu.memory_space<semaphore_mem>>)
    %mul3A_206 = arith.constant 4096 : i32
    %mul3A_207 = arith.muli %arg0, %mul3A_206 : i32
    %add3A_208 = arith.constant 992 : i32
    %add3A_209 = arith.addi %mul3A_207, %add3A_208 : i32
    %dma_start3A_210 = arith.constant 0 : i32
    %dma_start3A_211 = tpu.memref_slice %arg2[%add3A_209, %dma_start3A_210] : memref<8192x256xf32, #tpu.memory_space<hbm>> -> memref<32x256xf32, #tpu.memory_space<hbm>>
    tpu.enqueue_dma source(%arg3 : memref<32x256xf32, #tpu.memory_space<vmem_shared>>) target(%dma_start3A_211 : memref<32x256xf32, #tpu.memory_space<hbm>>) target_semaphore(%arg4 : memref<!tpu.dma_semaphore, #tpu.memory_space<semaphore_mem>>)
    %mul3A_212 = arith.constant 4096 : i32
    %mul3A_213 = arith.muli %arg0, %mul3A_212 : i32
    %add3A_214 = arith.constant 1024 : i32
    %add3A_215 = arith.addi %mul3A_213, %add3A_214 : i32
    %dma_start3A_216 = arith.constant 0 : i32
    %dma_start3A_217 = tpu.memref_slice %arg2[%add3A_215, %dma_start3A_216] : memref<8192x256xf32, #tpu.memory_space<hbm>> -> memref<32x256xf32, #tpu.memory_space<hbm>>
    tpu.enqueue_dma source(%arg3 : memref<32x256xf32, #tpu.memory_space<vmem_shared>>) target(%dma_start3A_217 : memref<32x256xf32, #tpu.memory_space<hbm>>) target_semaphore(%arg4 : memref<!tpu.dma_semaphore, #tpu.memory_space<semaphore_mem>>)
    %mul3A_218 = arith.constant 4096 : i32
    %mul3A_219 = arith.muli %arg0, %mul3A_218 : i32
    %add3A_220 = arith.constant 1056 : i32
    %add3A_221 = arith.addi %mul3A_219, %add3A_220 : i32
    %dma_start3A_222 = arith.constant 0 : i32
    %dma_start3A_223 = tpu.memref_slice %arg2[%add3A_221, %dma_start3A_222] : memref<8192x256xf32, #tpu.memory_space<hbm>> -> memref<32x256xf32, #tpu.memory_space<hbm>>
    tpu.enqueue_dma source(%arg3 : memref<32x256xf32, #tpu.memory_space<vmem_shared>>) target(%dma_start3A_223 : memref<32x256xf32, #tpu.memory_space<hbm>>) target_semaphore(%arg4 : memref<!tpu.dma_semaphore, #tpu.memory_space<semaphore_mem>>)
    %mul3A_224 = arith.constant 4096 : i32
    %mul3A_225 = arith.muli %arg0, %mul3A_224 : i32
    %add3A_226 = arith.constant 1088 : i32
    %add3A_227 = arith.addi %mul3A_225, %add3A_226 : i32
    %dma_start3A_228 = arith.constant 0 : i32
    %dma_start3A_229 = tpu.memref_slice %arg2[%add3A_227, %dma_start3A_228] : memref<8192x256xf32, #tpu.memory_space<hbm>> -> memref<32x256xf32, #tpu.memory_space<hbm>>
    tpu.enqueue_dma source(%arg3 : memref<32x256xf32, #tpu.memory_space<vmem_shared>>) target(%dma_start3A_229 : memref<32x256xf32, #tpu.memory_space<hbm>>) target_semaphore(%arg4 : memref<!tpu.dma_semaphore, #tpu.memory_space<semaphore_mem>>)
    %mul3A_230 = arith.constant 4096 : i32
    %mul3A_231 = arith.muli %arg0, %mul3A_230 : i32
    %add3A_232 = arith.constant 1120 : i32
    %add3A_233 = arith.addi %mul3A_231, %add3A_232 : i32
    %dma_start3A_234 = arith.constant 0 : i32
    %dma_start3A_235 = tpu.memref_slice %arg2[%add3A_233, %dma_start3A_234] : memref<8192x256xf32, #tpu.memory_space<hbm>> -> memref<32x256xf32, #tpu.memory_space<hbm>>
    tpu.enqueue_dma source(%arg3 : memref<32x256xf32, #tpu.memory_space<vmem_shared>>) target(%dma_start3A_235 : memref<32x256xf32, #tpu.memory_space<hbm>>) target_semaphore(%arg4 : memref<!tpu.dma_semaphore, #tpu.memory_space<semaphore_mem>>)
    %mul3A_236 = arith.constant 4096 : i32
    %mul3A_237 = arith.muli %arg0, %mul3A_236 : i32
    %add3A_238 = arith.constant 1152 : i32
    %add3A_239 = arith.addi %mul3A_237, %add3A_238 : i32
    %dma_start3A_240 = arith.constant 0 : i32
    %dma_start3A_241 = tpu.memref_slice %arg2[%add3A_239, %dma_start3A_240] : memref<8192x256xf32, #tpu.memory_space<hbm>> -> memref<32x256xf32, #tpu.memory_space<hbm>>
    tpu.enqueue_dma source(%arg3 : memref<32x256xf32, #tpu.memory_space<vmem_shared>>) target(%dma_start3A_241 : memref<32x256xf32, #tpu.memory_space<hbm>>) target_semaphore(%arg4 : memref<!tpu.dma_semaphore, #tpu.memory_space<semaphore_mem>>)
    %mul3A_242 = arith.constant 4096 : i32
    %mul3A_243 = arith.muli %arg0, %mul3A_242 : i32
    %add3A_244 = arith.constant 1184 : i32
    %add3A_245 = arith.addi %mul3A_243, %add3A_244 : i32
    %dma_start3A_246 = arith.constant 0 : i32
    %dma_start3A_247 = tpu.memref_slice %arg2[%add3A_245, %dma_start3A_246] : memref<8192x256xf32, #tpu.memory_space<hbm>> -> memref<32x256xf32, #tpu.memory_space<hbm>>
    tpu.enqueue_dma source(%arg3 : memref<32x256xf32, #tpu.memory_space<vmem_shared>>) target(%dma_start3A_247 : memref<32x256xf32, #tpu.memory_space<hbm>>) target_semaphore(%arg4 : memref<!tpu.dma_semaphore, #tpu.memory_space<semaphore_mem>>)
    %mul3A_248 = arith.constant 4096 : i32
    %mul3A_249 = arith.muli %arg0, %mul3A_248 : i32
    %add3A_250 = arith.constant 1216 : i32
    %add3A_251 = arith.addi %mul3A_249, %add3A_250 : i32
    %dma_start3A_252 = arith.constant 0 : i32
    %dma_start3A_253 = tpu.memref_slice %arg2[%add3A_251, %dma_start3A_252] : memref<8192x256xf32, #tpu.memory_space<hbm>> -> memref<32x256xf32, #tpu.memory_space<hbm>>
    tpu.enqueue_dma source(%arg3 : memref<32x256xf32, #tpu.memory_space<vmem_shared>>) target(%dma_start3A_253 : memref<32x256xf32, #tpu.memory_space<hbm>>) target_semaphore(%arg4 : memref<!tpu.dma_semaphore, #tpu.memory_space<semaphore_mem>>)
    %mul3A_254 = arith.constant 4096 : i32
    %mul3A_255 = arith.muli %arg0, %mul3A_254 : i32
    %add3A_256 = arith.constant 1248 : i32
    %add3A_257 = arith.addi %mul3A_255, %add3A_256 : i32
    %dma_start3A_258 = arith.constant 0 : i32
    %dma_start3A_259 = tpu.memref_slice %arg2[%add3A_257, %dma_start3A_258] : memref<8192x256xf32, #tpu.memory_space<hbm>> -> memref<32x256xf32, #tpu.memory_space<hbm>>
    tpu.enqueue_dma source(%arg3 : memref<32x256xf32, #tpu.memory_space<vmem_shared>>) target(%dma_start3A_259 : memref<32x256xf32, #tpu.memory_space<hbm>>) target_semaphore(%arg4 : memref<!tpu.dma_semaphore, #tpu.memory_space<semaphore_mem>>)
    %mul3A_260 = arith.constant 4096 : i32
    %mul3A_261 = arith.muli %arg0, %mul3A_260 : i32
    %add3A_262 = arith.constant 1280 : i32
    %add3A_263 = arith.addi %mul3A_261, %add3A_262 : i32
    %dma_start3A_264 = arith.constant 0 : i32
    %dma_start3A_265 = tpu.memref_slice %arg2[%add3A_263, %dma_start3A_264] : memref<8192x256xf32, #tpu.memory_space<hbm>> -> memref<32x256xf32, #tpu.memory_space<hbm>>
    tpu.enqueue_dma source(%arg3 : memref<32x256xf32, #tpu.memory_space<vmem_shared>>) target(%dma_start3A_265 : memref<32x256xf32, #tpu.memory_space<hbm>>) target_semaphore(%arg4 : memref<!tpu.dma_semaphore, #tpu.memory_space<semaphore_mem>>)
    %mul3A_266 = arith.constant 4096 : i32
    %mul3A_267 = arith.muli %arg0, %mul3A_266 : i32
    %add3A_268 = arith.constant 1312 : i32
    %add3A_269 = arith.addi %mul3A_267, %add3A_268 : i32
    %dma_start3A_270 = arith.constant 0 : i32
    %dma_start3A_271 = tpu.memref_slice %arg2[%add3A_269, %dma_start3A_270] : memref<8192x256xf32, #tpu.memory_space<hbm>> -> memref<32x256xf32, #tpu.memory_space<hbm>>
    tpu.enqueue_dma source(%arg3 : memref<32x256xf32, #tpu.memory_space<vmem_shared>>) target(%dma_start3A_271 : memref<32x256xf32, #tpu.memory_space<hbm>>) target_semaphore(%arg4 : memref<!tpu.dma_semaphore, #tpu.memory_space<semaphore_mem>>)
    %mul3A_272 = arith.constant 4096 : i32
    %mul3A_273 = arith.muli %arg0, %mul3A_272 : i32
    %add3A_274 = arith.constant 1344 : i32
    %add3A_275 = arith.addi %mul3A_273, %add3A_274 : i32
    %dma_start3A_276 = arith.constant 0 : i32
    %dma_start3A_277 = tpu.memref_slice %arg2[%add3A_275, %dma_start3A_276] : memref<8192x256xf32, #tpu.memory_space<hbm>> -> memref<32x256xf32, #tpu.memory_space<hbm>>
    tpu.enqueue_dma source(%arg3 : memref<32x256xf32, #tpu.memory_space<vmem_shared>>) target(%dma_start3A_277 : memref<32x256xf32, #tpu.memory_space<hbm>>) target_semaphore(%arg4 : memref<!tpu.dma_semaphore, #tpu.memory_space<semaphore_mem>>)
    %mul3A_278 = arith.constant 4096 : i32
    %mul3A_279 = arith.muli %arg0, %mul3A_278 : i32
    %add3A_280 = arith.constant 1376 : i32
    %add3A_281 = arith.addi %mul3A_279, %add3A_280 : i32
    %dma_start3A_282 = arith.constant 0 : i32
    %dma_start3A_283 = tpu.memref_slice %arg2[%add3A_281, %dma_start3A_282] : memref<8192x256xf32, #tpu.memory_space<hbm>> -> memref<32x256xf32, #tpu.memory_space<hbm>>
    tpu.enqueue_dma source(%arg3 : memref<32x256xf32, #tpu.memory_space<vmem_shared>>) target(%dma_start3A_283 : memref<32x256xf32, #tpu.memory_space<hbm>>) target_semaphore(%arg4 : memref<!tpu.dma_semaphore, #tpu.memory_space<semaphore_mem>>)
    %mul3A_284 = arith.constant 4096 : i32
    %mul3A_285 = arith.muli %arg0, %mul3A_284 : i32
    %add3A_286 = arith.constant 1408 : i32
    %add3A_287 = arith.addi %mul3A_285, %add3A_286 : i32
    %dma_start3A_288 = arith.constant 0 : i32
    %dma_start3A_289 = tpu.memref_slice %arg2[%add3A_287, %dma_start3A_288] : memref<8192x256xf32, #tpu.memory_space<hbm>> -> memref<32x256xf32, #tpu.memory_space<hbm>>
    tpu.enqueue_dma source(%arg3 : memref<32x256xf32, #tpu.memory_space<vmem_shared>>) target(%dma_start3A_289 : memref<32x256xf32, #tpu.memory_space<hbm>>) target_semaphore(%arg4 : memref<!tpu.dma_semaphore, #tpu.memory_space<semaphore_mem>>)
    %mul3A_290 = arith.constant 4096 : i32
    %mul3A_291 = arith.muli %arg0, %mul3A_290 : i32
    %add3A_292 = arith.constant 1440 : i32
    %add3A_293 = arith.addi %mul3A_291, %add3A_292 : i32
    %dma_start3A_294 = arith.constant 0 : i32
    %dma_start3A_295 = tpu.memref_slice %arg2[%add3A_293, %dma_start3A_294] : memref<8192x256xf32, #tpu.memory_space<hbm>> -> memref<32x256xf32, #tpu.memory_space<hbm>>
    tpu.enqueue_dma source(%arg3 : memref<32x256xf32, #tpu.memory_space<vmem_shared>>) target(%dma_start3A_295 : memref<32x256xf32, #tpu.memory_space<hbm>>) target_semaphore(%arg4 : memref<!tpu.dma_semaphore, #tpu.memory_space<semaphore_mem>>)
    %mul3A_296 = arith.constant 4096 : i32
    %mul3A_297 = arith.muli %arg0, %mul3A_296 : i32
    %add3A_298 = arith.constant 1472 : i32
    %add3A_299 = arith.addi %mul3A_297, %add3A_298 : i32
    %dma_start3A_300 = arith.constant 0 : i32
    %dma_start3A_301 = tpu.memref_slice %arg2[%add3A_299, %dma_start3A_300] : memref<8192x256xf32, #tpu.memory_space<hbm>> -> memref<32x256xf32, #tpu.memory_space<hbm>>
    tpu.enqueue_dma source(%arg3 : memref<32x256xf32, #tpu.memory_space<vmem_shared>>) target(%dma_start3A_301 : memref<32x256xf32, #tpu.memory_space<hbm>>) target_semaphore(%arg4 : memref<!tpu.dma_semaphore, #tpu.memory_space<semaphore_mem>>)
    %mul3A_302 = arith.constant 4096 : i32
    %mul3A_303 = arith.muli %arg0, %mul3A_302 : i32
    %add3A_304 = arith.constant 1504 : i32
    %add3A_305 = arith.addi %mul3A_303, %add3A_304 : i32
    %dma_start3A_306 = arith.constant 0 : i32
    %dma_start3A_307 = tpu.memref_slice %arg2[%add3A_305, %dma_start3A_306] : memref<8192x256xf32, #tpu.memory_space<hbm>> -> memref<32x256xf32, #tpu.memory_space<hbm>>
    tpu.enqueue_dma source(%arg3 : memref<32x256xf32, #tpu.memory_space<vmem_shared>>) target(%dma_start3A_307 : memref<32x256xf32, #tpu.memory_space<hbm>>) target_semaphore(%arg4 : memref<!tpu.dma_semaphore, #tpu.memory_space<semaphore_mem>>)
    %mul3A_308 = arith.constant 4096 : i32
    %mul3A_309 = arith.muli %arg0, %mul3A_308 : i32
    %add3A_310 = arith.constant 1536 : i32
    %add3A_311 = arith.addi %mul3A_309, %add3A_310 : i32
    %dma_start3A_312 = arith.constant 0 : i32
    %dma_start3A_313 = tpu.memref_slice %arg2[%add3A_311, %dma_start3A_312] : memref<8192x256xf32, #tpu.memory_space<hbm>> -> memref<32x256xf32, #tpu.memory_space<hbm>>
    tpu.enqueue_dma source(%arg3 : memref<32x256xf32, #tpu.memory_space<vmem_shared>>) target(%dma_start3A_313 : memref<32x256xf32, #tpu.memory_space<hbm>>) target_semaphore(%arg4 : memref<!tpu.dma_semaphore, #tpu.memory_space<semaphore_mem>>)
    %mul3A_314 = arith.constant 4096 : i32
    %mul3A_315 = arith.muli %arg0, %mul3A_314 : i32
    %add3A_316 = arith.constant 1568 : i32
    %add3A_317 = arith.addi %mul3A_315, %add3A_316 : i32
    %dma_start3A_318 = arith.constant 0 : i32
    %dma_start3A_319 = tpu.memref_slice %arg2[%add3A_317, %dma_start3A_318] : memref<8192x256xf32, #tpu.memory_space<hbm>> -> memref<32x256xf32, #tpu.memory_space<hbm>>
    tpu.enqueue_dma source(%arg3 : memref<32x256xf32, #tpu.memory_space<vmem_shared>>) target(%dma_start3A_319 : memref<32x256xf32, #tpu.memory_space<hbm>>) target_semaphore(%arg4 : memref<!tpu.dma_semaphore, #tpu.memory_space<semaphore_mem>>)
    %mul3A_320 = arith.constant 4096 : i32
    %mul3A_321 = arith.muli %arg0, %mul3A_320 : i32
    %add3A_322 = arith.constant 1600 : i32
    %add3A_323 = arith.addi %mul3A_321, %add3A_322 : i32
    %dma_start3A_324 = arith.constant 0 : i32
    %dma_start3A_325 = tpu.memref_slice %arg2[%add3A_323, %dma_start3A_324] : memref<8192x256xf32, #tpu.memory_space<hbm>> -> memref<32x256xf32, #tpu.memory_space<hbm>>
    tpu.enqueue_dma source(%arg3 : memref<32x256xf32, #tpu.memory_space<vmem_shared>>) target(%dma_start3A_325 : memref<32x256xf32, #tpu.memory_space<hbm>>) target_semaphore(%arg4 : memref<!tpu.dma_semaphore, #tpu.memory_space<semaphore_mem>>)
    %mul3A_326 = arith.constant 4096 : i32
    %mul3A_327 = arith.muli %arg0, %mul3A_326 : i32
    %add3A_328 = arith.constant 1632 : i32
    %add3A_329 = arith.addi %mul3A_327, %add3A_328 : i32
    %dma_start3A_330 = arith.constant 0 : i32
    %dma_start3A_331 = tpu.memref_slice %arg2[%add3A_329, %dma_start3A_330] : memref<8192x256xf32, #tpu.memory_space<hbm>> -> memref<32x256xf32, #tpu.memory_space<hbm>>
    tpu.enqueue_dma source(%arg3 : memref<32x256xf32, #tpu.memory_space<vmem_shared>>) target(%dma_start3A_331 : memref<32x256xf32, #tpu.memory_space<hbm>>) target_semaphore(%arg4 : memref<!tpu.dma_semaphore, #tpu.memory_space<semaphore_mem>>)
    %mul3A_332 = arith.constant 4096 : i32
    %mul3A_333 = arith.muli %arg0, %mul3A_332 : i32
    %add3A_334 = arith.constant 1664 : i32
    %add3A_335 = arith.addi %mul3A_333, %add3A_334 : i32
    %dma_start3A_336 = arith.constant 0 : i32
    %dma_start3A_337 = tpu.memref_slice %arg2[%add3A_335, %dma_start3A_336] : memref<8192x256xf32, #tpu.memory_space<hbm>> -> memref<32x256xf32, #tpu.memory_space<hbm>>
    tpu.enqueue_dma source(%arg3 : memref<32x256xf32, #tpu.memory_space<vmem_shared>>) target(%dma_start3A_337 : memref<32x256xf32, #tpu.memory_space<hbm>>) target_semaphore(%arg4 : memref<!tpu.dma_semaphore, #tpu.memory_space<semaphore_mem>>)
    %mul3A_338 = arith.constant 4096 : i32
    %mul3A_339 = arith.muli %arg0, %mul3A_338 : i32
    %add3A_340 = arith.constant 1696 : i32
    %add3A_341 = arith.addi %mul3A_339, %add3A_340 : i32
    %dma_start3A_342 = arith.constant 0 : i32
    %dma_start3A_343 = tpu.memref_slice %arg2[%add3A_341, %dma_start3A_342] : memref<8192x256xf32, #tpu.memory_space<hbm>> -> memref<32x256xf32, #tpu.memory_space<hbm>>
    tpu.enqueue_dma source(%arg3 : memref<32x256xf32, #tpu.memory_space<vmem_shared>>) target(%dma_start3A_343 : memref<32x256xf32, #tpu.memory_space<hbm>>) target_semaphore(%arg4 : memref<!tpu.dma_semaphore, #tpu.memory_space<semaphore_mem>>)
    %mul3A_344 = arith.constant 4096 : i32
    %mul3A_345 = arith.muli %arg0, %mul3A_344 : i32
    %add3A_346 = arith.constant 1728 : i32
    %add3A_347 = arith.addi %mul3A_345, %add3A_346 : i32
    %dma_start3A_348 = arith.constant 0 : i32
    %dma_start3A_349 = tpu.memref_slice %arg2[%add3A_347, %dma_start3A_348] : memref<8192x256xf32, #tpu.memory_space<hbm>> -> memref<32x256xf32, #tpu.memory_space<hbm>>
    tpu.enqueue_dma source(%arg3 : memref<32x256xf32, #tpu.memory_space<vmem_shared>>) target(%dma_start3A_349 : memref<32x256xf32, #tpu.memory_space<hbm>>) target_semaphore(%arg4 : memref<!tpu.dma_semaphore, #tpu.memory_space<semaphore_mem>>)
    %mul3A_350 = arith.constant 4096 : i32
    %mul3A_351 = arith.muli %arg0, %mul3A_350 : i32
    %add3A_352 = arith.constant 1760 : i32
    %add3A_353 = arith.addi %mul3A_351, %add3A_352 : i32
    %dma_start3A_354 = arith.constant 0 : i32
    %dma_start3A_355 = tpu.memref_slice %arg2[%add3A_353, %dma_start3A_354] : memref<8192x256xf32, #tpu.memory_space<hbm>> -> memref<32x256xf32, #tpu.memory_space<hbm>>
    tpu.enqueue_dma source(%arg3 : memref<32x256xf32, #tpu.memory_space<vmem_shared>>) target(%dma_start3A_355 : memref<32x256xf32, #tpu.memory_space<hbm>>) target_semaphore(%arg4 : memref<!tpu.dma_semaphore, #tpu.memory_space<semaphore_mem>>)
    %mul3A_356 = arith.constant 4096 : i32
    %mul3A_357 = arith.muli %arg0, %mul3A_356 : i32
    %add3A_358 = arith.constant 1792 : i32
    %add3A_359 = arith.addi %mul3A_357, %add3A_358 : i32
    %dma_start3A_360 = arith.constant 0 : i32
    %dma_start3A_361 = tpu.memref_slice %arg2[%add3A_359, %dma_start3A_360] : memref<8192x256xf32, #tpu.memory_space<hbm>> -> memref<32x256xf32, #tpu.memory_space<hbm>>
    tpu.enqueue_dma source(%arg3 : memref<32x256xf32, #tpu.memory_space<vmem_shared>>) target(%dma_start3A_361 : memref<32x256xf32, #tpu.memory_space<hbm>>) target_semaphore(%arg4 : memref<!tpu.dma_semaphore, #tpu.memory_space<semaphore_mem>>)
    %mul3A_362 = arith.constant 4096 : i32
    %mul3A_363 = arith.muli %arg0, %mul3A_362 : i32
    %add3A_364 = arith.constant 1824 : i32
    %add3A_365 = arith.addi %mul3A_363, %add3A_364 : i32
    %dma_start3A_366 = arith.constant 0 : i32
    %dma_start3A_367 = tpu.memref_slice %arg2[%add3A_365, %dma_start3A_366] : memref<8192x256xf32, #tpu.memory_space<hbm>> -> memref<32x256xf32, #tpu.memory_space<hbm>>
    tpu.enqueue_dma source(%arg3 : memref<32x256xf32, #tpu.memory_space<vmem_shared>>) target(%dma_start3A_367 : memref<32x256xf32, #tpu.memory_space<hbm>>) target_semaphore(%arg4 : memref<!tpu.dma_semaphore, #tpu.memory_space<semaphore_mem>>)
    %mul3A_368 = arith.constant 4096 : i32
    %mul3A_369 = arith.muli %arg0, %mul3A_368 : i32
    %add3A_370 = arith.constant 1856 : i32
    %add3A_371 = arith.addi %mul3A_369, %add3A_370 : i32
    %dma_start3A_372 = arith.constant 0 : i32
    %dma_start3A_373 = tpu.memref_slice %arg2[%add3A_371, %dma_start3A_372] : memref<8192x256xf32, #tpu.memory_space<hbm>> -> memref<32x256xf32, #tpu.memory_space<hbm>>
    tpu.enqueue_dma source(%arg3 : memref<32x256xf32, #tpu.memory_space<vmem_shared>>) target(%dma_start3A_373 : memref<32x256xf32, #tpu.memory_space<hbm>>) target_semaphore(%arg4 : memref<!tpu.dma_semaphore, #tpu.memory_space<semaphore_mem>>)
    %mul3A_374 = arith.constant 4096 : i32
    %mul3A_375 = arith.muli %arg0, %mul3A_374 : i32
    %add3A_376 = arith.constant 1888 : i32
    %add3A_377 = arith.addi %mul3A_375, %add3A_376 : i32
    %dma_start3A_378 = arith.constant 0 : i32
    %dma_start3A_379 = tpu.memref_slice %arg2[%add3A_377, %dma_start3A_378] : memref<8192x256xf32, #tpu.memory_space<hbm>> -> memref<32x256xf32, #tpu.memory_space<hbm>>
    tpu.enqueue_dma source(%arg3 : memref<32x256xf32, #tpu.memory_space<vmem_shared>>) target(%dma_start3A_379 : memref<32x256xf32, #tpu.memory_space<hbm>>) target_semaphore(%arg4 : memref<!tpu.dma_semaphore, #tpu.memory_space<semaphore_mem>>)
    %mul3A_380 = arith.constant 4096 : i32
    %mul3A_381 = arith.muli %arg0, %mul3A_380 : i32
    %add3A_382 = arith.constant 1920 : i32
    %add3A_383 = arith.addi %mul3A_381, %add3A_382 : i32
    %dma_start3A_384 = arith.constant 0 : i32
    %dma_start3A_385 = tpu.memref_slice %arg2[%add3A_383, %dma_start3A_384] : memref<8192x256xf32, #tpu.memory_space<hbm>> -> memref<32x256xf32, #tpu.memory_space<hbm>>
    tpu.enqueue_dma source(%arg3 : memref<32x256xf32, #tpu.memory_space<vmem_shared>>) target(%dma_start3A_385 : memref<32x256xf32, #tpu.memory_space<hbm>>) target_semaphore(%arg4 : memref<!tpu.dma_semaphore, #tpu.memory_space<semaphore_mem>>)
    %mul3A_386 = arith.constant 4096 : i32
    %mul3A_387 = arith.muli %arg0, %mul3A_386 : i32
    %add3A_388 = arith.constant 1952 : i32
    %add3A_389 = arith.addi %mul3A_387, %add3A_388 : i32
    %dma_start3A_390 = arith.constant 0 : i32
    %dma_start3A_391 = tpu.memref_slice %arg2[%add3A_389, %dma_start3A_390] : memref<8192x256xf32, #tpu.memory_space<hbm>> -> memref<32x256xf32, #tpu.memory_space<hbm>>
    tpu.enqueue_dma source(%arg3 : memref<32x256xf32, #tpu.memory_space<vmem_shared>>) target(%dma_start3A_391 : memref<32x256xf32, #tpu.memory_space<hbm>>) target_semaphore(%arg4 : memref<!tpu.dma_semaphore, #tpu.memory_space<semaphore_mem>>)
    %mul3A_392 = arith.constant 4096 : i32
    %mul3A_393 = arith.muli %arg0, %mul3A_392 : i32
    %add3A_394 = arith.constant 1984 : i32
    %add3A_395 = arith.addi %mul3A_393, %add3A_394 : i32
    %dma_start3A_396 = arith.constant 0 : i32
    %dma_start3A_397 = tpu.memref_slice %arg2[%add3A_395, %dma_start3A_396] : memref<8192x256xf32, #tpu.memory_space<hbm>> -> memref<32x256xf32, #tpu.memory_space<hbm>>
    tpu.enqueue_dma source(%arg3 : memref<32x256xf32, #tpu.memory_space<vmem_shared>>) target(%dma_start3A_397 : memref<32x256xf32, #tpu.memory_space<hbm>>) target_semaphore(%arg4 : memref<!tpu.dma_semaphore, #tpu.memory_space<semaphore_mem>>)
    %mul3A_398 = arith.constant 4096 : i32
    %mul3A_399 = arith.muli %arg0, %mul3A_398 : i32
    %add3A_400 = arith.constant 2016 : i32
    %add3A_401 = arith.addi %mul3A_399, %add3A_400 : i32
    %dma_start3A_402 = arith.constant 0 : i32
    %dma_start3A_403 = tpu.memref_slice %arg2[%add3A_401, %dma_start3A_402] : memref<8192x256xf32, #tpu.memory_space<hbm>> -> memref<32x256xf32, #tpu.memory_space<hbm>>
    tpu.enqueue_dma source(%arg3 : memref<32x256xf32, #tpu.memory_space<vmem_shared>>) target(%dma_start3A_403 : memref<32x256xf32, #tpu.memory_space<hbm>>) target_semaphore(%arg4 : memref<!tpu.dma_semaphore, #tpu.memory_space<semaphore_mem>>)
    %mul3A_404 = arith.constant 4096 : i32
    %mul3A_405 = arith.muli %arg0, %mul3A_404 : i32
    %add3A_406 = arith.constant 2048 : i32
    %add3A_407 = arith.addi %mul3A_405, %add3A_406 : i32
    %dma_start3A_408 = arith.constant 0 : i32
    %dma_start3A_409 = tpu.memref_slice %arg2[%add3A_407, %dma_start3A_408] : memref<8192x256xf32, #tpu.memory_space<hbm>> -> memref<32x256xf32, #tpu.memory_space<hbm>>
    tpu.enqueue_dma source(%arg3 : memref<32x256xf32, #tpu.memory_space<vmem_shared>>) target(%dma_start3A_409 : memref<32x256xf32, #tpu.memory_space<hbm>>) target_semaphore(%arg4 : memref<!tpu.dma_semaphore, #tpu.memory_space<semaphore_mem>>)
    %mul3A_410 = arith.constant 4096 : i32
    %mul3A_411 = arith.muli %arg0, %mul3A_410 : i32
    %add3A_412 = arith.constant 2080 : i32
    %add3A_413 = arith.addi %mul3A_411, %add3A_412 : i32
    %dma_start3A_414 = arith.constant 0 : i32
    %dma_start3A_415 = tpu.memref_slice %arg2[%add3A_413, %dma_start3A_414] : memref<8192x256xf32, #tpu.memory_space<hbm>> -> memref<32x256xf32, #tpu.memory_space<hbm>>
    tpu.enqueue_dma source(%arg3 : memref<32x256xf32, #tpu.memory_space<vmem_shared>>) target(%dma_start3A_415 : memref<32x256xf32, #tpu.memory_space<hbm>>) target_semaphore(%arg4 : memref<!tpu.dma_semaphore, #tpu.memory_space<semaphore_mem>>)
    %mul3A_416 = arith.constant 4096 : i32
    %mul3A_417 = arith.muli %arg0, %mul3A_416 : i32
    %add3A_418 = arith.constant 2112 : i32
    %add3A_419 = arith.addi %mul3A_417, %add3A_418 : i32
    %dma_start3A_420 = arith.constant 0 : i32
    %dma_start3A_421 = tpu.memref_slice %arg2[%add3A_419, %dma_start3A_420] : memref<8192x256xf32, #tpu.memory_space<hbm>> -> memref<32x256xf32, #tpu.memory_space<hbm>>
    tpu.enqueue_dma source(%arg3 : memref<32x256xf32, #tpu.memory_space<vmem_shared>>) target(%dma_start3A_421 : memref<32x256xf32, #tpu.memory_space<hbm>>) target_semaphore(%arg4 : memref<!tpu.dma_semaphore, #tpu.memory_space<semaphore_mem>>)
    %mul3A_422 = arith.constant 4096 : i32
    %mul3A_423 = arith.muli %arg0, %mul3A_422 : i32
    %add3A_424 = arith.constant 2144 : i32
    %add3A_425 = arith.addi %mul3A_423, %add3A_424 : i32
    %dma_start3A_426 = arith.constant 0 : i32
    %dma_start3A_427 = tpu.memref_slice %arg2[%add3A_425, %dma_start3A_426] : memref<8192x256xf32, #tpu.memory_space<hbm>> -> memref<32x256xf32, #tpu.memory_space<hbm>>
    tpu.enqueue_dma source(%arg3 : memref<32x256xf32, #tpu.memory_space<vmem_shared>>) target(%dma_start3A_427 : memref<32x256xf32, #tpu.memory_space<hbm>>) target_semaphore(%arg4 : memref<!tpu.dma_semaphore, #tpu.memory_space<semaphore_mem>>)
    %mul3A_428 = arith.constant 4096 : i32
    %mul3A_429 = arith.muli %arg0, %mul3A_428 : i32
    %add3A_430 = arith.constant 2176 : i32
    %add3A_431 = arith.addi %mul3A_429, %add3A_430 : i32
    %dma_start3A_432 = arith.constant 0 : i32
    %dma_start3A_433 = tpu.memref_slice %arg2[%add3A_431, %dma_start3A_432] : memref<8192x256xf32, #tpu.memory_space<hbm>> -> memref<32x256xf32, #tpu.memory_space<hbm>>
    tpu.enqueue_dma source(%arg3 : memref<32x256xf32, #tpu.memory_space<vmem_shared>>) target(%dma_start3A_433 : memref<32x256xf32, #tpu.memory_space<hbm>>) target_semaphore(%arg4 : memref<!tpu.dma_semaphore, #tpu.memory_space<semaphore_mem>>)
    %mul3A_434 = arith.constant 4096 : i32
    %mul3A_435 = arith.muli %arg0, %mul3A_434 : i32
    %add3A_436 = arith.constant 2208 : i32
    %add3A_437 = arith.addi %mul3A_435, %add3A_436 : i32
    %dma_start3A_438 = arith.constant 0 : i32
    %dma_start3A_439 = tpu.memref_slice %arg2[%add3A_437, %dma_start3A_438] : memref<8192x256xf32, #tpu.memory_space<hbm>> -> memref<32x256xf32, #tpu.memory_space<hbm>>
    tpu.enqueue_dma source(%arg3 : memref<32x256xf32, #tpu.memory_space<vmem_shared>>) target(%dma_start3A_439 : memref<32x256xf32, #tpu.memory_space<hbm>>) target_semaphore(%arg4 : memref<!tpu.dma_semaphore, #tpu.memory_space<semaphore_mem>>)
    %mul3A_440 = arith.constant 4096 : i32
    %mul3A_441 = arith.muli %arg0, %mul3A_440 : i32
    %add3A_442 = arith.constant 2240 : i32
    %add3A_443 = arith.addi %mul3A_441, %add3A_442 : i32
    %dma_start3A_444 = arith.constant 0 : i32
    %dma_start3A_445 = tpu.memref_slice %arg2[%add3A_443, %dma_start3A_444] : memref<8192x256xf32, #tpu.memory_space<hbm>> -> memref<32x256xf32, #tpu.memory_space<hbm>>
    tpu.enqueue_dma source(%arg3 : memref<32x256xf32, #tpu.memory_space<vmem_shared>>) target(%dma_start3A_445 : memref<32x256xf32, #tpu.memory_space<hbm>>) target_semaphore(%arg4 : memref<!tpu.dma_semaphore, #tpu.memory_space<semaphore_mem>>)
    %mul3A_446 = arith.constant 4096 : i32
    %mul3A_447 = arith.muli %arg0, %mul3A_446 : i32
    %add3A_448 = arith.constant 2272 : i32
    %add3A_449 = arith.addi %mul3A_447, %add3A_448 : i32
    %dma_start3A_450 = arith.constant 0 : i32
    %dma_start3A_451 = tpu.memref_slice %arg2[%add3A_449, %dma_start3A_450] : memref<8192x256xf32, #tpu.memory_space<hbm>> -> memref<32x256xf32, #tpu.memory_space<hbm>>
    tpu.enqueue_dma source(%arg3 : memref<32x256xf32, #tpu.memory_space<vmem_shared>>) target(%dma_start3A_451 : memref<32x256xf32, #tpu.memory_space<hbm>>) target_semaphore(%arg4 : memref<!tpu.dma_semaphore, #tpu.memory_space<semaphore_mem>>)
    %mul3A_452 = arith.constant 4096 : i32
    %mul3A_453 = arith.muli %arg0, %mul3A_452 : i32
    %add3A_454 = arith.constant 2304 : i32
    %add3A_455 = arith.addi %mul3A_453, %add3A_454 : i32
    %dma_start3A_456 = arith.constant 0 : i32
    %dma_start3A_457 = tpu.memref_slice %arg2[%add3A_455, %dma_start3A_456] : memref<8192x256xf32, #tpu.memory_space<hbm>> -> memref<32x256xf32, #tpu.memory_space<hbm>>
    tpu.enqueue_dma source(%arg3 : memref<32x256xf32, #tpu.memory_space<vmem_shared>>) target(%dma_start3A_457 : memref<32x256xf32, #tpu.memory_space<hbm>>) target_semaphore(%arg4 : memref<!tpu.dma_semaphore, #tpu.memory_space<semaphore_mem>>)
    %mul3A_458 = arith.constant 4096 : i32
    %mul3A_459 = arith.muli %arg0, %mul3A_458 : i32
    %add3A_460 = arith.constant 2336 : i32
    %add3A_461 = arith.addi %mul3A_459, %add3A_460 : i32
    %dma_start3A_462 = arith.constant 0 : i32
    %dma_start3A_463 = tpu.memref_slice %arg2[%add3A_461, %dma_start3A_462] : memref<8192x256xf32, #tpu.memory_space<hbm>> -> memref<32x256xf32, #tpu.memory_space<hbm>>
    tpu.enqueue_dma source(%arg3 : memref<32x256xf32, #tpu.memory_space<vmem_shared>>) target(%dma_start3A_463 : memref<32x256xf32, #tpu.memory_space<hbm>>) target_semaphore(%arg4 : memref<!tpu.dma_semaphore, #tpu.memory_space<semaphore_mem>>)
    %mul3A_464 = arith.constant 4096 : i32
    %mul3A_465 = arith.muli %arg0, %mul3A_464 : i32
    %add3A_466 = arith.constant 2368 : i32
    %add3A_467 = arith.addi %mul3A_465, %add3A_466 : i32
    %dma_start3A_468 = arith.constant 0 : i32
    %dma_start3A_469 = tpu.memref_slice %arg2[%add3A_467, %dma_start3A_468] : memref<8192x256xf32, #tpu.memory_space<hbm>> -> memref<32x256xf32, #tpu.memory_space<hbm>>
    tpu.enqueue_dma source(%arg3 : memref<32x256xf32, #tpu.memory_space<vmem_shared>>) target(%dma_start3A_469 : memref<32x256xf32, #tpu.memory_space<hbm>>) target_semaphore(%arg4 : memref<!tpu.dma_semaphore, #tpu.memory_space<semaphore_mem>>)
    %mul3A_470 = arith.constant 4096 : i32
    %mul3A_471 = arith.muli %arg0, %mul3A_470 : i32
    %add3A_472 = arith.constant 2400 : i32
    %add3A_473 = arith.addi %mul3A_471, %add3A_472 : i32
    %dma_start3A_474 = arith.constant 0 : i32
    %dma_start3A_475 = tpu.memref_slice %arg2[%add3A_473, %dma_start3A_474] : memref<8192x256xf32, #tpu.memory_space<hbm>> -> memref<32x256xf32, #tpu.memory_space<hbm>>
    tpu.enqueue_dma source(%arg3 : memref<32x256xf32, #tpu.memory_space<vmem_shared>>) target(%dma_start3A_475 : memref<32x256xf32, #tpu.memory_space<hbm>>) target_semaphore(%arg4 : memref<!tpu.dma_semaphore, #tpu.memory_space<semaphore_mem>>)
    %mul3A_476 = arith.constant 4096 : i32
    %mul3A_477 = arith.muli %arg0, %mul3A_476 : i32
    %add3A_478 = arith.constant 2432 : i32
    %add3A_479 = arith.addi %mul3A_477, %add3A_478 : i32
    %dma_start3A_480 = arith.constant 0 : i32
    %dma_start3A_481 = tpu.memref_slice %arg2[%add3A_479, %dma_start3A_480] : memref<8192x256xf32, #tpu.memory_space<hbm>> -> memref<32x256xf32, #tpu.memory_space<hbm>>
    tpu.enqueue_dma source(%arg3 : memref<32x256xf32, #tpu.memory_space<vmem_shared>>) target(%dma_start3A_481 : memref<32x256xf32, #tpu.memory_space<hbm>>) target_semaphore(%arg4 : memref<!tpu.dma_semaphore, #tpu.memory_space<semaphore_mem>>)
    %mul3A_482 = arith.constant 4096 : i32
    %mul3A_483 = arith.muli %arg0, %mul3A_482 : i32
    %add3A_484 = arith.constant 2464 : i32
    %add3A_485 = arith.addi %mul3A_483, %add3A_484 : i32
    %dma_start3A_486 = arith.constant 0 : i32
    %dma_start3A_487 = tpu.memref_slice %arg2[%add3A_485, %dma_start3A_486] : memref<8192x256xf32, #tpu.memory_space<hbm>> -> memref<32x256xf32, #tpu.memory_space<hbm>>
    tpu.enqueue_dma source(%arg3 : memref<32x256xf32, #tpu.memory_space<vmem_shared>>) target(%dma_start3A_487 : memref<32x256xf32, #tpu.memory_space<hbm>>) target_semaphore(%arg4 : memref<!tpu.dma_semaphore, #tpu.memory_space<semaphore_mem>>)
    %mul3A_488 = arith.constant 4096 : i32
    %mul3A_489 = arith.muli %arg0, %mul3A_488 : i32
    %add3A_490 = arith.constant 2496 : i32
    %add3A_491 = arith.addi %mul3A_489, %add3A_490 : i32
    %dma_start3A_492 = arith.constant 0 : i32
    %dma_start3A_493 = tpu.memref_slice %arg2[%add3A_491, %dma_start3A_492] : memref<8192x256xf32, #tpu.memory_space<hbm>> -> memref<32x256xf32, #tpu.memory_space<hbm>>
    tpu.enqueue_dma source(%arg3 : memref<32x256xf32, #tpu.memory_space<vmem_shared>>) target(%dma_start3A_493 : memref<32x256xf32, #tpu.memory_space<hbm>>) target_semaphore(%arg4 : memref<!tpu.dma_semaphore, #tpu.memory_space<semaphore_mem>>)
    %mul3A_494 = arith.constant 4096 : i32
    %mul3A_495 = arith.muli %arg0, %mul3A_494 : i32
    %add3A_496 = arith.constant 2528 : i32
    %add3A_497 = arith.addi %mul3A_495, %add3A_496 : i32
    %dma_start3A_498 = arith.constant 0 : i32
    %dma_start3A_499 = tpu.memref_slice %arg2[%add3A_497, %dma_start3A_498] : memref<8192x256xf32, #tpu.memory_space<hbm>> -> memref<32x256xf32, #tpu.memory_space<hbm>>
    tpu.enqueue_dma source(%arg3 : memref<32x256xf32, #tpu.memory_space<vmem_shared>>) target(%dma_start3A_499 : memref<32x256xf32, #tpu.memory_space<hbm>>) target_semaphore(%arg4 : memref<!tpu.dma_semaphore, #tpu.memory_space<semaphore_mem>>)
    %mul3A_500 = arith.constant 4096 : i32
    %mul3A_501 = arith.muli %arg0, %mul3A_500 : i32
    %add3A_502 = arith.constant 2560 : i32
    %add3A_503 = arith.addi %mul3A_501, %add3A_502 : i32
    %dma_start3A_504 = arith.constant 0 : i32
    %dma_start3A_505 = tpu.memref_slice %arg2[%add3A_503, %dma_start3A_504] : memref<8192x256xf32, #tpu.memory_space<hbm>> -> memref<32x256xf32, #tpu.memory_space<hbm>>
    tpu.enqueue_dma source(%arg3 : memref<32x256xf32, #tpu.memory_space<vmem_shared>>) target(%dma_start3A_505 : memref<32x256xf32, #tpu.memory_space<hbm>>) target_semaphore(%arg4 : memref<!tpu.dma_semaphore, #tpu.memory_space<semaphore_mem>>)
    %mul3A_506 = arith.constant 4096 : i32
    %mul3A_507 = arith.muli %arg0, %mul3A_506 : i32
    %add3A_508 = arith.constant 2592 : i32
    %add3A_509 = arith.addi %mul3A_507, %add3A_508 : i32
    %dma_start3A_510 = arith.constant 0 : i32
    %dma_start3A_511 = tpu.memref_slice %arg2[%add3A_509, %dma_start3A_510] : memref<8192x256xf32, #tpu.memory_space<hbm>> -> memref<32x256xf32, #tpu.memory_space<hbm>>
    tpu.enqueue_dma source(%arg3 : memref<32x256xf32, #tpu.memory_space<vmem_shared>>) target(%dma_start3A_511 : memref<32x256xf32, #tpu.memory_space<hbm>>) target_semaphore(%arg4 : memref<!tpu.dma_semaphore, #tpu.memory_space<semaphore_mem>>)
    %mul3A_512 = arith.constant 4096 : i32
    %mul3A_513 = arith.muli %arg0, %mul3A_512 : i32
    %add3A_514 = arith.constant 2624 : i32
    %add3A_515 = arith.addi %mul3A_513, %add3A_514 : i32
    %dma_start3A_516 = arith.constant 0 : i32
    %dma_start3A_517 = tpu.memref_slice %arg2[%add3A_515, %dma_start3A_516] : memref<8192x256xf32, #tpu.memory_space<hbm>> -> memref<32x256xf32, #tpu.memory_space<hbm>>
    tpu.enqueue_dma source(%arg3 : memref<32x256xf32, #tpu.memory_space<vmem_shared>>) target(%dma_start3A_517 : memref<32x256xf32, #tpu.memory_space<hbm>>) target_semaphore(%arg4 : memref<!tpu.dma_semaphore, #tpu.memory_space<semaphore_mem>>)
    %mul3A_518 = arith.constant 4096 : i32
    %mul3A_519 = arith.muli %arg0, %mul3A_518 : i32
    %add3A_520 = arith.constant 2656 : i32
    %add3A_521 = arith.addi %mul3A_519, %add3A_520 : i32
    %dma_start3A_522 = arith.constant 0 : i32
    %dma_start3A_523 = tpu.memref_slice %arg2[%add3A_521, %dma_start3A_522] : memref<8192x256xf32, #tpu.memory_space<hbm>> -> memref<32x256xf32, #tpu.memory_space<hbm>>
    tpu.enqueue_dma source(%arg3 : memref<32x256xf32, #tpu.memory_space<vmem_shared>>) target(%dma_start3A_523 : memref<32x256xf32, #tpu.memory_space<hbm>>) target_semaphore(%arg4 : memref<!tpu.dma_semaphore, #tpu.memory_space<semaphore_mem>>)
    %mul3A_524 = arith.constant 4096 : i32
    %mul3A_525 = arith.muli %arg0, %mul3A_524 : i32
    %add3A_526 = arith.constant 2688 : i32
    %add3A_527 = arith.addi %mul3A_525, %add3A_526 : i32
    %dma_start3A_528 = arith.constant 0 : i32
    %dma_start3A_529 = tpu.memref_slice %arg2[%add3A_527, %dma_start3A_528] : memref<8192x256xf32, #tpu.memory_space<hbm>> -> memref<32x256xf32, #tpu.memory_space<hbm>>
    tpu.enqueue_dma source(%arg3 : memref<32x256xf32, #tpu.memory_space<vmem_shared>>) target(%dma_start3A_529 : memref<32x256xf32, #tpu.memory_space<hbm>>) target_semaphore(%arg4 : memref<!tpu.dma_semaphore, #tpu.memory_space<semaphore_mem>>)
    %mul3A_530 = arith.constant 4096 : i32
    %mul3A_531 = arith.muli %arg0, %mul3A_530 : i32
    %add3A_532 = arith.constant 2720 : i32
    %add3A_533 = arith.addi %mul3A_531, %add3A_532 : i32
    %dma_start3A_534 = arith.constant 0 : i32
    %dma_start3A_535 = tpu.memref_slice %arg2[%add3A_533, %dma_start3A_534] : memref<8192x256xf32, #tpu.memory_space<hbm>> -> memref<32x256xf32, #tpu.memory_space<hbm>>
    tpu.enqueue_dma source(%arg3 : memref<32x256xf32, #tpu.memory_space<vmem_shared>>) target(%dma_start3A_535 : memref<32x256xf32, #tpu.memory_space<hbm>>) target_semaphore(%arg4 : memref<!tpu.dma_semaphore, #tpu.memory_space<semaphore_mem>>)
    %mul3A_536 = arith.constant 4096 : i32
    %mul3A_537 = arith.muli %arg0, %mul3A_536 : i32
    %add3A_538 = arith.constant 2752 : i32
    %add3A_539 = arith.addi %mul3A_537, %add3A_538 : i32
    %dma_start3A_540 = arith.constant 0 : i32
    %dma_start3A_541 = tpu.memref_slice %arg2[%add3A_539, %dma_start3A_540] : memref<8192x256xf32, #tpu.memory_space<hbm>> -> memref<32x256xf32, #tpu.memory_space<hbm>>
    tpu.enqueue_dma source(%arg3 : memref<32x256xf32, #tpu.memory_space<vmem_shared>>) target(%dma_start3A_541 : memref<32x256xf32, #tpu.memory_space<hbm>>) target_semaphore(%arg4 : memref<!tpu.dma_semaphore, #tpu.memory_space<semaphore_mem>>)
    %mul3A_542 = arith.constant 4096 : i32
    %mul3A_543 = arith.muli %arg0, %mul3A_542 : i32
    %add3A_544 = arith.constant 2784 : i32
    %add3A_545 = arith.addi %mul3A_543, %add3A_544 : i32
    %dma_start3A_546 = arith.constant 0 : i32
    %dma_start3A_547 = tpu.memref_slice %arg2[%add3A_545, %dma_start3A_546] : memref<8192x256xf32, #tpu.memory_space<hbm>> -> memref<32x256xf32, #tpu.memory_space<hbm>>
    tpu.enqueue_dma source(%arg3 : memref<32x256xf32, #tpu.memory_space<vmem_shared>>) target(%dma_start3A_547 : memref<32x256xf32, #tpu.memory_space<hbm>>) target_semaphore(%arg4 : memref<!tpu.dma_semaphore, #tpu.memory_space<semaphore_mem>>)
    %mul3A_548 = arith.constant 4096 : i32
    %mul3A_549 = arith.muli %arg0, %mul3A_548 : i32
    %add3A_550 = arith.constant 2816 : i32
    %add3A_551 = arith.addi %mul3A_549, %add3A_550 : i32
    %dma_start3A_552 = arith.constant 0 : i32
    %dma_start3A_553 = tpu.memref_slice %arg2[%add3A_551, %dma_start3A_552] : memref<8192x256xf32, #tpu.memory_space<hbm>> -> memref<32x256xf32, #tpu.memory_space<hbm>>
    tpu.enqueue_dma source(%arg3 : memref<32x256xf32, #tpu.memory_space<vmem_shared>>) target(%dma_start3A_553 : memref<32x256xf32, #tpu.memory_space<hbm>>) target_semaphore(%arg4 : memref<!tpu.dma_semaphore, #tpu.memory_space<semaphore_mem>>)
    %mul3A_554 = arith.constant 4096 : i32
    %mul3A_555 = arith.muli %arg0, %mul3A_554 : i32
    %add3A_556 = arith.constant 2848 : i32
    %add3A_557 = arith.addi %mul3A_555, %add3A_556 : i32
    %dma_start3A_558 = arith.constant 0 : i32
    %dma_start3A_559 = tpu.memref_slice %arg2[%add3A_557, %dma_start3A_558] : memref<8192x256xf32, #tpu.memory_space<hbm>> -> memref<32x256xf32, #tpu.memory_space<hbm>>
    tpu.enqueue_dma source(%arg3 : memref<32x256xf32, #tpu.memory_space<vmem_shared>>) target(%dma_start3A_559 : memref<32x256xf32, #tpu.memory_space<hbm>>) target_semaphore(%arg4 : memref<!tpu.dma_semaphore, #tpu.memory_space<semaphore_mem>>)
    %mul3A_560 = arith.constant 4096 : i32
    %mul3A_561 = arith.muli %arg0, %mul3A_560 : i32
    %add3A_562 = arith.constant 2880 : i32
    %add3A_563 = arith.addi %mul3A_561, %add3A_562 : i32
    %dma_start3A_564 = arith.constant 0 : i32
    %dma_start3A_565 = tpu.memref_slice %arg2[%add3A_563, %dma_start3A_564] : memref<8192x256xf32, #tpu.memory_space<hbm>> -> memref<32x256xf32, #tpu.memory_space<hbm>>
    tpu.enqueue_dma source(%arg3 : memref<32x256xf32, #tpu.memory_space<vmem_shared>>) target(%dma_start3A_565 : memref<32x256xf32, #tpu.memory_space<hbm>>) target_semaphore(%arg4 : memref<!tpu.dma_semaphore, #tpu.memory_space<semaphore_mem>>)
    %mul3A_566 = arith.constant 4096 : i32
    %mul3A_567 = arith.muli %arg0, %mul3A_566 : i32
    %add3A_568 = arith.constant 2912 : i32
    %add3A_569 = arith.addi %mul3A_567, %add3A_568 : i32
    %dma_start3A_570 = arith.constant 0 : i32
    %dma_start3A_571 = tpu.memref_slice %arg2[%add3A_569, %dma_start3A_570] : memref<8192x256xf32, #tpu.memory_space<hbm>> -> memref<32x256xf32, #tpu.memory_space<hbm>>
    tpu.enqueue_dma source(%arg3 : memref<32x256xf32, #tpu.memory_space<vmem_shared>>) target(%dma_start3A_571 : memref<32x256xf32, #tpu.memory_space<hbm>>) target_semaphore(%arg4 : memref<!tpu.dma_semaphore, #tpu.memory_space<semaphore_mem>>)
    %mul3A_572 = arith.constant 4096 : i32
    %mul3A_573 = arith.muli %arg0, %mul3A_572 : i32
    %add3A_574 = arith.constant 2944 : i32
    %add3A_575 = arith.addi %mul3A_573, %add3A_574 : i32
    %dma_start3A_576 = arith.constant 0 : i32
    %dma_start3A_577 = tpu.memref_slice %arg2[%add3A_575, %dma_start3A_576] : memref<8192x256xf32, #tpu.memory_space<hbm>> -> memref<32x256xf32, #tpu.memory_space<hbm>>
    tpu.enqueue_dma source(%arg3 : memref<32x256xf32, #tpu.memory_space<vmem_shared>>) target(%dma_start3A_577 : memref<32x256xf32, #tpu.memory_space<hbm>>) target_semaphore(%arg4 : memref<!tpu.dma_semaphore, #tpu.memory_space<semaphore_mem>>)
    %mul3A_578 = arith.constant 4096 : i32
    %mul3A_579 = arith.muli %arg0, %mul3A_578 : i32
    %add3A_580 = arith.constant 2976 : i32
    %add3A_581 = arith.addi %mul3A_579, %add3A_580 : i32
    %dma_start3A_582 = arith.constant 0 : i32
    %dma_start3A_583 = tpu.memref_slice %arg2[%add3A_581, %dma_start3A_582] : memref<8192x256xf32, #tpu.memory_space<hbm>> -> memref<32x256xf32, #tpu.memory_space<hbm>>
    tpu.enqueue_dma source(%arg3 : memref<32x256xf32, #tpu.memory_space<vmem_shared>>) target(%dma_start3A_583 : memref<32x256xf32, #tpu.memory_space<hbm>>) target_semaphore(%arg4 : memref<!tpu.dma_semaphore, #tpu.memory_space<semaphore_mem>>)
    %mul3A_584 = arith.constant 4096 : i32
    %mul3A_585 = arith.muli %arg0, %mul3A_584 : i32
    %add3A_586 = arith.constant 3008 : i32
    %add3A_587 = arith.addi %mul3A_585, %add3A_586 : i32
    %dma_start3A_588 = arith.constant 0 : i32
    %dma_start3A_589 = tpu.memref_slice %arg2[%add3A_587, %dma_start3A_588] : memref<8192x256xf32, #tpu.memory_space<hbm>> -> memref<32x256xf32, #tpu.memory_space<hbm>>
    tpu.enqueue_dma source(%arg3 : memref<32x256xf32, #tpu.memory_space<vmem_shared>>) target(%dma_start3A_589 : memref<32x256xf32, #tpu.memory_space<hbm>>) target_semaphore(%arg4 : memref<!tpu.dma_semaphore, #tpu.memory_space<semaphore_mem>>)
    %mul3A_590 = arith.constant 4096 : i32
    %mul3A_591 = arith.muli %arg0, %mul3A_590 : i32
    %add3A_592 = arith.constant 3040 : i32
    %add3A_593 = arith.addi %mul3A_591, %add3A_592 : i32
    %dma_start3A_594 = arith.constant 0 : i32
    %dma_start3A_595 = tpu.memref_slice %arg2[%add3A_593, %dma_start3A_594] : memref<8192x256xf32, #tpu.memory_space<hbm>> -> memref<32x256xf32, #tpu.memory_space<hbm>>
    tpu.enqueue_dma source(%arg3 : memref<32x256xf32, #tpu.memory_space<vmem_shared>>) target(%dma_start3A_595 : memref<32x256xf32, #tpu.memory_space<hbm>>) target_semaphore(%arg4 : memref<!tpu.dma_semaphore, #tpu.memory_space<semaphore_mem>>)
    %mul3A_596 = arith.constant 4096 : i32
    %mul3A_597 = arith.muli %arg0, %mul3A_596 : i32
    %add3A_598 = arith.constant 3072 : i32
    %add3A_599 = arith.addi %mul3A_597, %add3A_598 : i32
    %dma_start3A_600 = arith.constant 0 : i32
    %dma_start3A_601 = tpu.memref_slice %arg2[%add3A_599, %dma_start3A_600] : memref<8192x256xf32, #tpu.memory_space<hbm>> -> memref<32x256xf32, #tpu.memory_space<hbm>>
    tpu.enqueue_dma source(%arg3 : memref<32x256xf32, #tpu.memory_space<vmem_shared>>) target(%dma_start3A_601 : memref<32x256xf32, #tpu.memory_space<hbm>>) target_semaphore(%arg4 : memref<!tpu.dma_semaphore, #tpu.memory_space<semaphore_mem>>)
    %mul3A_602 = arith.constant 4096 : i32
    %mul3A_603 = arith.muli %arg0, %mul3A_602 : i32
    %add3A_604 = arith.constant 3104 : i32
    %add3A_605 = arith.addi %mul3A_603, %add3A_604 : i32
    %dma_start3A_606 = arith.constant 0 : i32
    %dma_start3A_607 = tpu.memref_slice %arg2[%add3A_605, %dma_start3A_606] : memref<8192x256xf32, #tpu.memory_space<hbm>> -> memref<32x256xf32, #tpu.memory_space<hbm>>
    tpu.enqueue_dma source(%arg3 : memref<32x256xf32, #tpu.memory_space<vmem_shared>>) target(%dma_start3A_607 : memref<32x256xf32, #tpu.memory_space<hbm>>) target_semaphore(%arg4 : memref<!tpu.dma_semaphore, #tpu.memory_space<semaphore_mem>>)
    %mul3A_608 = arith.constant 4096 : i32
    %mul3A_609 = arith.muli %arg0, %mul3A_608 : i32
    %add3A_610 = arith.constant 3136 : i32
    %add3A_611 = arith.addi %mul3A_609, %add3A_610 : i32
    %dma_start3A_612 = arith.constant 0 : i32
    %dma_start3A_613 = tpu.memref_slice %arg2[%add3A_611, %dma_start3A_612] : memref<8192x256xf32, #tpu.memory_space<hbm>> -> memref<32x256xf32, #tpu.memory_space<hbm>>
    tpu.enqueue_dma source(%arg3 : memref<32x256xf32, #tpu.memory_space<vmem_shared>>) target(%dma_start3A_613 : memref<32x256xf32, #tpu.memory_space<hbm>>) target_semaphore(%arg4 : memref<!tpu.dma_semaphore, #tpu.memory_space<semaphore_mem>>)
    %mul3A_614 = arith.constant 4096 : i32
    %mul3A_615 = arith.muli %arg0, %mul3A_614 : i32
    %add3A_616 = arith.constant 3168 : i32
    %add3A_617 = arith.addi %mul3A_615, %add3A_616 : i32
    %dma_start3A_618 = arith.constant 0 : i32
    %dma_start3A_619 = tpu.memref_slice %arg2[%add3A_617, %dma_start3A_618] : memref<8192x256xf32, #tpu.memory_space<hbm>> -> memref<32x256xf32, #tpu.memory_space<hbm>>
    tpu.enqueue_dma source(%arg3 : memref<32x256xf32, #tpu.memory_space<vmem_shared>>) target(%dma_start3A_619 : memref<32x256xf32, #tpu.memory_space<hbm>>) target_semaphore(%arg4 : memref<!tpu.dma_semaphore, #tpu.memory_space<semaphore_mem>>)
    %mul3A_620 = arith.constant 4096 : i32
    %mul3A_621 = arith.muli %arg0, %mul3A_620 : i32
    %add3A_622 = arith.constant 3200 : i32
    %add3A_623 = arith.addi %mul3A_621, %add3A_622 : i32
    %dma_start3A_624 = arith.constant 0 : i32
    %dma_start3A_625 = tpu.memref_slice %arg2[%add3A_623, %dma_start3A_624] : memref<8192x256xf32, #tpu.memory_space<hbm>> -> memref<32x256xf32, #tpu.memory_space<hbm>>
    tpu.enqueue_dma source(%arg3 : memref<32x256xf32, #tpu.memory_space<vmem_shared>>) target(%dma_start3A_625 : memref<32x256xf32, #tpu.memory_space<hbm>>) target_semaphore(%arg4 : memref<!tpu.dma_semaphore, #tpu.memory_space<semaphore_mem>>)
    %mul3A_626 = arith.constant 4096 : i32
    %mul3A_627 = arith.muli %arg0, %mul3A_626 : i32
    %add3A_628 = arith.constant 3232 : i32
    %add3A_629 = arith.addi %mul3A_627, %add3A_628 : i32
    %dma_start3A_630 = arith.constant 0 : i32
    %dma_start3A_631 = tpu.memref_slice %arg2[%add3A_629, %dma_start3A_630] : memref<8192x256xf32, #tpu.memory_space<hbm>> -> memref<32x256xf32, #tpu.memory_space<hbm>>
    tpu.enqueue_dma source(%arg3 : memref<32x256xf32, #tpu.memory_space<vmem_shared>>) target(%dma_start3A_631 : memref<32x256xf32, #tpu.memory_space<hbm>>) target_semaphore(%arg4 : memref<!tpu.dma_semaphore, #tpu.memory_space<semaphore_mem>>)
    %mul3A_632 = arith.constant 4096 : i32
    %mul3A_633 = arith.muli %arg0, %mul3A_632 : i32
    %add3A_634 = arith.constant 3264 : i32
    %add3A_635 = arith.addi %mul3A_633, %add3A_634 : i32
    %dma_start3A_636 = arith.constant 0 : i32
    %dma_start3A_637 = tpu.memref_slice %arg2[%add3A_635, %dma_start3A_636] : memref<8192x256xf32, #tpu.memory_space<hbm>> -> memref<32x256xf32, #tpu.memory_space<hbm>>
    tpu.enqueue_dma source(%arg3 : memref<32x256xf32, #tpu.memory_space<vmem_shared>>) target(%dma_start3A_637 : memref<32x256xf32, #tpu.memory_space<hbm>>) target_semaphore(%arg4 : memref<!tpu.dma_semaphore, #tpu.memory_space<semaphore_mem>>)
    %mul3A_638 = arith.constant 4096 : i32
    %mul3A_639 = arith.muli %arg0, %mul3A_638 : i32
    %add3A_640 = arith.constant 3296 : i32
    %add3A_641 = arith.addi %mul3A_639, %add3A_640 : i32
    %dma_start3A_642 = arith.constant 0 : i32
    %dma_start3A_643 = tpu.memref_slice %arg2[%add3A_641, %dma_start3A_642] : memref<8192x256xf32, #tpu.memory_space<hbm>> -> memref<32x256xf32, #tpu.memory_space<hbm>>
    tpu.enqueue_dma source(%arg3 : memref<32x256xf32, #tpu.memory_space<vmem_shared>>) target(%dma_start3A_643 : memref<32x256xf32, #tpu.memory_space<hbm>>) target_semaphore(%arg4 : memref<!tpu.dma_semaphore, #tpu.memory_space<semaphore_mem>>)
    %mul3A_644 = arith.constant 4096 : i32
    %mul3A_645 = arith.muli %arg0, %mul3A_644 : i32
    %add3A_646 = arith.constant 3328 : i32
    %add3A_647 = arith.addi %mul3A_645, %add3A_646 : i32
    %dma_start3A_648 = arith.constant 0 : i32
    %dma_start3A_649 = tpu.memref_slice %arg2[%add3A_647, %dma_start3A_648] : memref<8192x256xf32, #tpu.memory_space<hbm>> -> memref<32x256xf32, #tpu.memory_space<hbm>>
    tpu.enqueue_dma source(%arg3 : memref<32x256xf32, #tpu.memory_space<vmem_shared>>) target(%dma_start3A_649 : memref<32x256xf32, #tpu.memory_space<hbm>>) target_semaphore(%arg4 : memref<!tpu.dma_semaphore, #tpu.memory_space<semaphore_mem>>)
    %mul3A_650 = arith.constant 4096 : i32
    %mul3A_651 = arith.muli %arg0, %mul3A_650 : i32
    %add3A_652 = arith.constant 3360 : i32
    %add3A_653 = arith.addi %mul3A_651, %add3A_652 : i32
    %dma_start3A_654 = arith.constant 0 : i32
    %dma_start3A_655 = tpu.memref_slice %arg2[%add3A_653, %dma_start3A_654] : memref<8192x256xf32, #tpu.memory_space<hbm>> -> memref<32x256xf32, #tpu.memory_space<hbm>>
    tpu.enqueue_dma source(%arg3 : memref<32x256xf32, #tpu.memory_space<vmem_shared>>) target(%dma_start3A_655 : memref<32x256xf32, #tpu.memory_space<hbm>>) target_semaphore(%arg4 : memref<!tpu.dma_semaphore, #tpu.memory_space<semaphore_mem>>)
    %mul3A_656 = arith.constant 4096 : i32
    %mul3A_657 = arith.muli %arg0, %mul3A_656 : i32
    %add3A_658 = arith.constant 3392 : i32
    %add3A_659 = arith.addi %mul3A_657, %add3A_658 : i32
    %dma_start3A_660 = arith.constant 0 : i32
    %dma_start3A_661 = tpu.memref_slice %arg2[%add3A_659, %dma_start3A_660] : memref<8192x256xf32, #tpu.memory_space<hbm>> -> memref<32x256xf32, #tpu.memory_space<hbm>>
    tpu.enqueue_dma source(%arg3 : memref<32x256xf32, #tpu.memory_space<vmem_shared>>) target(%dma_start3A_661 : memref<32x256xf32, #tpu.memory_space<hbm>>) target_semaphore(%arg4 : memref<!tpu.dma_semaphore, #tpu.memory_space<semaphore_mem>>)
    %mul3A_662 = arith.constant 4096 : i32
    %mul3A_663 = arith.muli %arg0, %mul3A_662 : i32
    %add3A_664 = arith.constant 3424 : i32
    %add3A_665 = arith.addi %mul3A_663, %add3A_664 : i32
    %dma_start3A_666 = arith.constant 0 : i32
    %dma_start3A_667 = tpu.memref_slice %arg2[%add3A_665, %dma_start3A_666] : memref<8192x256xf32, #tpu.memory_space<hbm>> -> memref<32x256xf32, #tpu.memory_space<hbm>>
    tpu.enqueue_dma source(%arg3 : memref<32x256xf32, #tpu.memory_space<vmem_shared>>) target(%dma_start3A_667 : memref<32x256xf32, #tpu.memory_space<hbm>>) target_semaphore(%arg4 : memref<!tpu.dma_semaphore, #tpu.memory_space<semaphore_mem>>)
    %mul3A_668 = arith.constant 4096 : i32
    %mul3A_669 = arith.muli %arg0, %mul3A_668 : i32
    %add3A_670 = arith.constant 3456 : i32
    %add3A_671 = arith.addi %mul3A_669, %add3A_670 : i32
    %dma_start3A_672 = arith.constant 0 : i32
    %dma_start3A_673 = tpu.memref_slice %arg2[%add3A_671, %dma_start3A_672] : memref<8192x256xf32, #tpu.memory_space<hbm>> -> memref<32x256xf32, #tpu.memory_space<hbm>>
    tpu.enqueue_dma source(%arg3 : memref<32x256xf32, #tpu.memory_space<vmem_shared>>) target(%dma_start3A_673 : memref<32x256xf32, #tpu.memory_space<hbm>>) target_semaphore(%arg4 : memref<!tpu.dma_semaphore, #tpu.memory_space<semaphore_mem>>)
    %mul3A_674 = arith.constant 4096 : i32
    %mul3A_675 = arith.muli %arg0, %mul3A_674 : i32
    %add3A_676 = arith.constant 3488 : i32
    %add3A_677 = arith.addi %mul3A_675, %add3A_676 : i32
    %dma_start3A_678 = arith.constant 0 : i32
    %dma_start3A_679 = tpu.memref_slice %arg2[%add3A_677, %dma_start3A_678] : memref<8192x256xf32, #tpu.memory_space<hbm>> -> memref<32x256xf32, #tpu.memory_space<hbm>>
    tpu.enqueue_dma source(%arg3 : memref<32x256xf32, #tpu.memory_space<vmem_shared>>) target(%dma_start3A_679 : memref<32x256xf32, #tpu.memory_space<hbm>>) target_semaphore(%arg4 : memref<!tpu.dma_semaphore, #tpu.memory_space<semaphore_mem>>)
    %mul3A_680 = arith.constant 4096 : i32
    %mul3A_681 = arith.muli %arg0, %mul3A_680 : i32
    %add3A_682 = arith.constant 3520 : i32
    %add3A_683 = arith.addi %mul3A_681, %add3A_682 : i32
    %dma_start3A_684 = arith.constant 0 : i32
    %dma_start3A_685 = tpu.memref_slice %arg2[%add3A_683, %dma_start3A_684] : memref<8192x256xf32, #tpu.memory_space<hbm>> -> memref<32x256xf32, #tpu.memory_space<hbm>>
    tpu.enqueue_dma source(%arg3 : memref<32x256xf32, #tpu.memory_space<vmem_shared>>) target(%dma_start3A_685 : memref<32x256xf32, #tpu.memory_space<hbm>>) target_semaphore(%arg4 : memref<!tpu.dma_semaphore, #tpu.memory_space<semaphore_mem>>)
    %mul3A_686 = arith.constant 4096 : i32
    %mul3A_687 = arith.muli %arg0, %mul3A_686 : i32
    %add3A_688 = arith.constant 3552 : i32
    %add3A_689 = arith.addi %mul3A_687, %add3A_688 : i32
    %dma_start3A_690 = arith.constant 0 : i32
    %dma_start3A_691 = tpu.memref_slice %arg2[%add3A_689, %dma_start3A_690] : memref<8192x256xf32, #tpu.memory_space<hbm>> -> memref<32x256xf32, #tpu.memory_space<hbm>>
    tpu.enqueue_dma source(%arg3 : memref<32x256xf32, #tpu.memory_space<vmem_shared>>) target(%dma_start3A_691 : memref<32x256xf32, #tpu.memory_space<hbm>>) target_semaphore(%arg4 : memref<!tpu.dma_semaphore, #tpu.memory_space<semaphore_mem>>)
    %mul3A_692 = arith.constant 4096 : i32
    %mul3A_693 = arith.muli %arg0, %mul3A_692 : i32
    %add3A_694 = arith.constant 3584 : i32
    %add3A_695 = arith.addi %mul3A_693, %add3A_694 : i32
    %dma_start3A_696 = arith.constant 0 : i32
    %dma_start3A_697 = tpu.memref_slice %arg2[%add3A_695, %dma_start3A_696] : memref<8192x256xf32, #tpu.memory_space<hbm>> -> memref<32x256xf32, #tpu.memory_space<hbm>>
    tpu.enqueue_dma source(%arg3 : memref<32x256xf32, #tpu.memory_space<vmem_shared>>) target(%dma_start3A_697 : memref<32x256xf32, #tpu.memory_space<hbm>>) target_semaphore(%arg4 : memref<!tpu.dma_semaphore, #tpu.memory_space<semaphore_mem>>)
    %mul3A_698 = arith.constant 4096 : i32
    %mul3A_699 = arith.muli %arg0, %mul3A_698 : i32
    %add3A_700 = arith.constant 3616 : i32
    %add3A_701 = arith.addi %mul3A_699, %add3A_700 : i32
    %dma_start3A_702 = arith.constant 0 : i32
    %dma_start3A_703 = tpu.memref_slice %arg2[%add3A_701, %dma_start3A_702] : memref<8192x256xf32, #tpu.memory_space<hbm>> -> memref<32x256xf32, #tpu.memory_space<hbm>>
    tpu.enqueue_dma source(%arg3 : memref<32x256xf32, #tpu.memory_space<vmem_shared>>) target(%dma_start3A_703 : memref<32x256xf32, #tpu.memory_space<hbm>>) target_semaphore(%arg4 : memref<!tpu.dma_semaphore, #tpu.memory_space<semaphore_mem>>)
    %mul3A_704 = arith.constant 4096 : i32
    %mul3A_705 = arith.muli %arg0, %mul3A_704 : i32
    %add3A_706 = arith.constant 3648 : i32
    %add3A_707 = arith.addi %mul3A_705, %add3A_706 : i32
    %dma_start3A_708 = arith.constant 0 : i32
    %dma_start3A_709 = tpu.memref_slice %arg2[%add3A_707, %dma_start3A_708] : memref<8192x256xf32, #tpu.memory_space<hbm>> -> memref<32x256xf32, #tpu.memory_space<hbm>>
    tpu.enqueue_dma source(%arg3 : memref<32x256xf32, #tpu.memory_space<vmem_shared>>) target(%dma_start3A_709 : memref<32x256xf32, #tpu.memory_space<hbm>>) target_semaphore(%arg4 : memref<!tpu.dma_semaphore, #tpu.memory_space<semaphore_mem>>)
    %mul3A_710 = arith.constant 4096 : i32
    %mul3A_711 = arith.muli %arg0, %mul3A_710 : i32
    %add3A_712 = arith.constant 3680 : i32
    %add3A_713 = arith.addi %mul3A_711, %add3A_712 : i32
    %dma_start3A_714 = arith.constant 0 : i32
    %dma_start3A_715 = tpu.memref_slice %arg2[%add3A_713, %dma_start3A_714] : memref<8192x256xf32, #tpu.memory_space<hbm>> -> memref<32x256xf32, #tpu.memory_space<hbm>>
    tpu.enqueue_dma source(%arg3 : memref<32x256xf32, #tpu.memory_space<vmem_shared>>) target(%dma_start3A_715 : memref<32x256xf32, #tpu.memory_space<hbm>>) target_semaphore(%arg4 : memref<!tpu.dma_semaphore, #tpu.memory_space<semaphore_mem>>)
    %mul3A_716 = arith.constant 4096 : i32
    %mul3A_717 = arith.muli %arg0, %mul3A_716 : i32
    %add3A_718 = arith.constant 3712 : i32
    %add3A_719 = arith.addi %mul3A_717, %add3A_718 : i32
    %dma_start3A_720 = arith.constant 0 : i32
    %dma_start3A_721 = tpu.memref_slice %arg2[%add3A_719, %dma_start3A_720] : memref<8192x256xf32, #tpu.memory_space<hbm>> -> memref<32x256xf32, #tpu.memory_space<hbm>>
    tpu.enqueue_dma source(%arg3 : memref<32x256xf32, #tpu.memory_space<vmem_shared>>) target(%dma_start3A_721 : memref<32x256xf32, #tpu.memory_space<hbm>>) target_semaphore(%arg4 : memref<!tpu.dma_semaphore, #tpu.memory_space<semaphore_mem>>)
    %mul3A_722 = arith.constant 4096 : i32
    %mul3A_723 = arith.muli %arg0, %mul3A_722 : i32
    %add3A_724 = arith.constant 3744 : i32
    %add3A_725 = arith.addi %mul3A_723, %add3A_724 : i32
    %dma_start3A_726 = arith.constant 0 : i32
    %dma_start3A_727 = tpu.memref_slice %arg2[%add3A_725, %dma_start3A_726] : memref<8192x256xf32, #tpu.memory_space<hbm>> -> memref<32x256xf32, #tpu.memory_space<hbm>>
    tpu.enqueue_dma source(%arg3 : memref<32x256xf32, #tpu.memory_space<vmem_shared>>) target(%dma_start3A_727 : memref<32x256xf32, #tpu.memory_space<hbm>>) target_semaphore(%arg4 : memref<!tpu.dma_semaphore, #tpu.memory_space<semaphore_mem>>)
    %mul3A_728 = arith.constant 4096 : i32
    %mul3A_729 = arith.muli %arg0, %mul3A_728 : i32
    %add3A_730 = arith.constant 3776 : i32
    %add3A_731 = arith.addi %mul3A_729, %add3A_730 : i32
    %dma_start3A_732 = arith.constant 0 : i32
    %dma_start3A_733 = tpu.memref_slice %arg2[%add3A_731, %dma_start3A_732] : memref<8192x256xf32, #tpu.memory_space<hbm>> -> memref<32x256xf32, #tpu.memory_space<hbm>>
    tpu.enqueue_dma source(%arg3 : memref<32x256xf32, #tpu.memory_space<vmem_shared>>) target(%dma_start3A_733 : memref<32x256xf32, #tpu.memory_space<hbm>>) target_semaphore(%arg4 : memref<!tpu.dma_semaphore, #tpu.memory_space<semaphore_mem>>)
    %mul3A_734 = arith.constant 4096 : i32
    %mul3A_735 = arith.muli %arg0, %mul3A_734 : i32
    %add3A_736 = arith.constant 3808 : i32
    %add3A_737 = arith.addi %mul3A_735, %add3A_736 : i32
    %dma_start3A_738 = arith.constant 0 : i32
    %dma_start3A_739 = tpu.memref_slice %arg2[%add3A_737, %dma_start3A_738] : memref<8192x256xf32, #tpu.memory_space<hbm>> -> memref<32x256xf32, #tpu.memory_space<hbm>>
    tpu.enqueue_dma source(%arg3 : memref<32x256xf32, #tpu.memory_space<vmem_shared>>) target(%dma_start3A_739 : memref<32x256xf32, #tpu.memory_space<hbm>>) target_semaphore(%arg4 : memref<!tpu.dma_semaphore, #tpu.memory_space<semaphore_mem>>)
    %mul3A_740 = arith.constant 4096 : i32
    %mul3A_741 = arith.muli %arg0, %mul3A_740 : i32
    %add3A_742 = arith.constant 3840 : i32
    %add3A_743 = arith.addi %mul3A_741, %add3A_742 : i32
    %dma_start3A_744 = arith.constant 0 : i32
    %dma_start3A_745 = tpu.memref_slice %arg2[%add3A_743, %dma_start3A_744] : memref<8192x256xf32, #tpu.memory_space<hbm>> -> memref<32x256xf32, #tpu.memory_space<hbm>>
    tpu.enqueue_dma source(%arg3 : memref<32x256xf32, #tpu.memory_space<vmem_shared>>) target(%dma_start3A_745 : memref<32x256xf32, #tpu.memory_space<hbm>>) target_semaphore(%arg4 : memref<!tpu.dma_semaphore, #tpu.memory_space<semaphore_mem>>)
    %mul3A_746 = arith.constant 4096 : i32
    %mul3A_747 = arith.muli %arg0, %mul3A_746 : i32
    %add3A_748 = arith.constant 3872 : i32
    %add3A_749 = arith.addi %mul3A_747, %add3A_748 : i32
    %dma_start3A_750 = arith.constant 0 : i32
    %dma_start3A_751 = tpu.memref_slice %arg2[%add3A_749, %dma_start3A_750] : memref<8192x256xf32, #tpu.memory_space<hbm>> -> memref<32x256xf32, #tpu.memory_space<hbm>>
    tpu.enqueue_dma source(%arg3 : memref<32x256xf32, #tpu.memory_space<vmem_shared>>) target(%dma_start3A_751 : memref<32x256xf32, #tpu.memory_space<hbm>>) target_semaphore(%arg4 : memref<!tpu.dma_semaphore, #tpu.memory_space<semaphore_mem>>)
    %mul3A_752 = arith.constant 4096 : i32
    %mul3A_753 = arith.muli %arg0, %mul3A_752 : i32
    %add3A_754 = arith.constant 3904 : i32
    %add3A_755 = arith.addi %mul3A_753, %add3A_754 : i32
    %dma_start3A_756 = arith.constant 0 : i32
    %dma_start3A_757 = tpu.memref_slice %arg2[%add3A_755, %dma_start3A_756] : memref<8192x256xf32, #tpu.memory_space<hbm>> -> memref<32x256xf32, #tpu.memory_space<hbm>>
    tpu.enqueue_dma source(%arg3 : memref<32x256xf32, #tpu.memory_space<vmem_shared>>) target(%dma_start3A_757 : memref<32x256xf32, #tpu.memory_space<hbm>>) target_semaphore(%arg4 : memref<!tpu.dma_semaphore, #tpu.memory_space<semaphore_mem>>)
    %mul3A_758 = arith.constant 4096 : i32
    %mul3A_759 = arith.muli %arg0, %mul3A_758 : i32
    %add3A_760 = arith.constant 3936 : i32
    %add3A_761 = arith.addi %mul3A_759, %add3A_760 : i32
    %dma_start3A_762 = arith.constant 0 : i32
    %dma_start3A_763 = tpu.memref_slice %arg2[%add3A_761, %dma_start3A_762] : memref<8192x256xf32, #tpu.memory_space<hbm>> -> memref<32x256xf32, #tpu.memory_space<hbm>>
    tpu.enqueue_dma source(%arg3 : memref<32x256xf32, #tpu.memory_space<vmem_shared>>) target(%dma_start3A_763 : memref<32x256xf32, #tpu.memory_space<hbm>>) target_semaphore(%arg4 : memref<!tpu.dma_semaphore, #tpu.memory_space<semaphore_mem>>)
    %mul3A_764 = arith.constant 4096 : i32
    %mul3A_765 = arith.muli %arg0, %mul3A_764 : i32
    %add3A_766 = arith.constant 3968 : i32
    %add3A_767 = arith.addi %mul3A_765, %add3A_766 : i32
    %dma_start3A_768 = arith.constant 0 : i32
    %dma_start3A_769 = tpu.memref_slice %arg2[%add3A_767, %dma_start3A_768] : memref<8192x256xf32, #tpu.memory_space<hbm>> -> memref<32x256xf32, #tpu.memory_space<hbm>>
    tpu.enqueue_dma source(%arg3 : memref<32x256xf32, #tpu.memory_space<vmem_shared>>) target(%dma_start3A_769 : memref<32x256xf32, #tpu.memory_space<hbm>>) target_semaphore(%arg4 : memref<!tpu.dma_semaphore, #tpu.memory_space<semaphore_mem>>)
    %mul3A_770 = arith.constant 4096 : i32
    %mul3A_771 = arith.muli %arg0, %mul3A_770 : i32
    %add3A_772 = arith.constant 4000 : i32
    %add3A_773 = arith.addi %mul3A_771, %add3A_772 : i32
    %dma_start3A_774 = arith.constant 0 : i32
    %dma_start3A_775 = tpu.memref_slice %arg2[%add3A_773, %dma_start3A_774] : memref<8192x256xf32, #tpu.memory_space<hbm>> -> memref<32x256xf32, #tpu.memory_space<hbm>>
    tpu.enqueue_dma source(%arg3 : memref<32x256xf32, #tpu.memory_space<vmem_shared>>) target(%dma_start3A_775 : memref<32x256xf32, #tpu.memory_space<hbm>>) target_semaphore(%arg4 : memref<!tpu.dma_semaphore, #tpu.memory_space<semaphore_mem>>)
    %mul3A_776 = arith.constant 4096 : i32
    %mul3A_777 = arith.muli %arg0, %mul3A_776 : i32
    %add3A_778 = arith.constant 4032 : i32
    %add3A_779 = arith.addi %mul3A_777, %add3A_778 : i32
    %dma_start3A_780 = arith.constant 0 : i32
    %dma_start3A_781 = tpu.memref_slice %arg2[%add3A_779, %dma_start3A_780] : memref<8192x256xf32, #tpu.memory_space<hbm>> -> memref<32x256xf32, #tpu.memory_space<hbm>>
    tpu.enqueue_dma source(%arg3 : memref<32x256xf32, #tpu.memory_space<vmem_shared>>) target(%dma_start3A_781 : memref<32x256xf32, #tpu.memory_space<hbm>>) target_semaphore(%arg4 : memref<!tpu.dma_semaphore, #tpu.memory_space<semaphore_mem>>)
    %mul3A_782 = arith.constant 4096 : i32
    %mul3A_783 = arith.muli %arg0, %mul3A_782 : i32
    %add3A_784 = arith.constant 4064 : i32
    %add3A_785 = arith.addi %mul3A_783, %add3A_784 : i32
    %dma_start3A_786 = arith.constant 0 : i32
    %dma_start3A_787 = tpu.memref_slice %arg2[%add3A_785, %dma_start3A_786] : memref<8192x256xf32, #tpu.memory_space<hbm>> -> memref<32x256xf32, #tpu.memory_space<hbm>>
    tpu.enqueue_dma source(%arg3 : memref<32x256xf32, #tpu.memory_space<vmem_shared>>) target(%dma_start3A_787 : memref<32x256xf32, #tpu.memory_space<hbm>>) target_semaphore(%arg4 : memref<!tpu.dma_semaphore, #tpu.memory_space<semaphore_mem>>)
    %dma_wait3A_788 = arith.constant 0 : i32
    %dma_wait3A_789 = tpu.memref_slice %arg2[%add3A_23, %dma_wait3A_788] : memref<8192x256xf32, #tpu.memory_space<hbm>> -> memref<32x256xf32, #tpu.memory_space<hbm>>
    tpu.wait_dma2 semaphore(%arg4 : memref<!tpu.dma_semaphore, #tpu.memory_space<semaphore_mem>>) src(%arg3 : memref<32x256xf32, #tpu.memory_space<vmem_shared>>) dst(%dma_wait3A_789 : memref<32x256xf32, #tpu.memory_space<hbm>>)
    %dma_wait3A_790 = arith.constant 0 : i32
    %dma_wait3A_791 = tpu.memref_slice %arg2[%add3A_29, %dma_wait3A_790] : memref<8192x256xf32, #tpu.memory_space<hbm>> -> memref<32x256xf32, #tpu.memory_space<hbm>>
    tpu.wait_dma2 semaphore(%arg4 : memref<!tpu.dma_semaphore, #tpu.memory_space<semaphore_mem>>) src(%arg3 : memref<32x256xf32, #tpu.memory_space<vmem_shared>>) dst(%dma_wait3A_791 : memref<32x256xf32, #tpu.memory_space<hbm>>)
    %dma_wait3A_792 = arith.constant 0 : i32
    %dma_wait3A_793 = tpu.memref_slice %arg2[%add3A_35, %dma_wait3A_792] : memref<8192x256xf32, #tpu.memory_space<hbm>> -> memref<32x256xf32, #tpu.memory_space<hbm>>
    tpu.wait_dma2 semaphore(%arg4 : memref<!tpu.dma_semaphore, #tpu.memory_space<semaphore_mem>>) src(%arg3 : memref<32x256xf32, #tpu.memory_space<vmem_shared>>) dst(%dma_wait3A_793 : memref<32x256xf32, #tpu.memory_space<hbm>>)
    %dma_wait3A_794 = arith.constant 0 : i32
    %dma_wait3A_795 = tpu.memref_slice %arg2[%add3A_41, %dma_wait3A_794] : memref<8192x256xf32, #tpu.memory_space<hbm>> -> memref<32x256xf32, #tpu.memory_space<hbm>>
    tpu.wait_dma2 semaphore(%arg4 : memref<!tpu.dma_semaphore, #tpu.memory_space<semaphore_mem>>) src(%arg3 : memref<32x256xf32, #tpu.memory_space<vmem_shared>>) dst(%dma_wait3A_795 : memref<32x256xf32, #tpu.memory_space<hbm>>)
    %dma_wait3A_796 = arith.constant 0 : i32
    %dma_wait3A_797 = tpu.memref_slice %arg2[%add3A_47, %dma_wait3A_796] : memref<8192x256xf32, #tpu.memory_space<hbm>> -> memref<32x256xf32, #tpu.memory_space<hbm>>
    tpu.wait_dma2 semaphore(%arg4 : memref<!tpu.dma_semaphore, #tpu.memory_space<semaphore_mem>>) src(%arg3 : memref<32x256xf32, #tpu.memory_space<vmem_shared>>) dst(%dma_wait3A_797 : memref<32x256xf32, #tpu.memory_space<hbm>>)
    %dma_wait3A_798 = arith.constant 0 : i32
    %dma_wait3A_799 = tpu.memref_slice %arg2[%add3A_53, %dma_wait3A_798] : memref<8192x256xf32, #tpu.memory_space<hbm>> -> memref<32x256xf32, #tpu.memory_space<hbm>>
    tpu.wait_dma2 semaphore(%arg4 : memref<!tpu.dma_semaphore, #tpu.memory_space<semaphore_mem>>) src(%arg3 : memref<32x256xf32, #tpu.memory_space<vmem_shared>>) dst(%dma_wait3A_799 : memref<32x256xf32, #tpu.memory_space<hbm>>)
    %dma_wait3A_800 = arith.constant 0 : i32
    %dma_wait3A_801 = tpu.memref_slice %arg2[%add3A_59, %dma_wait3A_800] : memref<8192x256xf32, #tpu.memory_space<hbm>> -> memref<32x256xf32, #tpu.memory_space<hbm>>
    tpu.wait_dma2 semaphore(%arg4 : memref<!tpu.dma_semaphore, #tpu.memory_space<semaphore_mem>>) src(%arg3 : memref<32x256xf32, #tpu.memory_space<vmem_shared>>) dst(%dma_wait3A_801 : memref<32x256xf32, #tpu.memory_space<hbm>>)
    %dma_wait3A_802 = arith.constant 0 : i32
    %dma_wait3A_803 = tpu.memref_slice %arg2[%add3A_65, %dma_wait3A_802] : memref<8192x256xf32, #tpu.memory_space<hbm>> -> memref<32x256xf32, #tpu.memory_space<hbm>>
    tpu.wait_dma2 semaphore(%arg4 : memref<!tpu.dma_semaphore, #tpu.memory_space<semaphore_mem>>) src(%arg3 : memref<32x256xf32, #tpu.memory_space<vmem_shared>>) dst(%dma_wait3A_803 : memref<32x256xf32, #tpu.memory_space<hbm>>)
    %dma_wait3A_804 = arith.constant 0 : i32
    %dma_wait3A_805 = tpu.memref_slice %arg2[%add3A_71, %dma_wait3A_804] : memref<8192x256xf32, #tpu.memory_space<hbm>> -> memref<32x256xf32, #tpu.memory_space<hbm>>
    tpu.wait_dma2 semaphore(%arg4 : memref<!tpu.dma_semaphore, #tpu.memory_space<semaphore_mem>>) src(%arg3 : memref<32x256xf32, #tpu.memory_space<vmem_shared>>) dst(%dma_wait3A_805 : memref<32x256xf32, #tpu.memory_space<hbm>>)
    %dma_wait3A_806 = arith.constant 0 : i32
    %dma_wait3A_807 = tpu.memref_slice %arg2[%add3A_77, %dma_wait3A_806] : memref<8192x256xf32, #tpu.memory_space<hbm>> -> memref<32x256xf32, #tpu.memory_space<hbm>>
    tpu.wait_dma2 semaphore(%arg4 : memref<!tpu.dma_semaphore, #tpu.memory_space<semaphore_mem>>) src(%arg3 : memref<32x256xf32, #tpu.memory_space<vmem_shared>>) dst(%dma_wait3A_807 : memref<32x256xf32, #tpu.memory_space<hbm>>)
    %dma_wait3A_808 = arith.constant 0 : i32
    %dma_wait3A_809 = tpu.memref_slice %arg2[%add3A_83, %dma_wait3A_808] : memref<8192x256xf32, #tpu.memory_space<hbm>> -> memref<32x256xf32, #tpu.memory_space<hbm>>
    tpu.wait_dma2 semaphore(%arg4 : memref<!tpu.dma_semaphore, #tpu.memory_space<semaphore_mem>>) src(%arg3 : memref<32x256xf32, #tpu.memory_space<vmem_shared>>) dst(%dma_wait3A_809 : memref<32x256xf32, #tpu.memory_space<hbm>>)
    %dma_wait3A_810 = arith.constant 0 : i32
    %dma_wait3A_811 = tpu.memref_slice %arg2[%add3A_89, %dma_wait3A_810] : memref<8192x256xf32, #tpu.memory_space<hbm>> -> memref<32x256xf32, #tpu.memory_space<hbm>>
    tpu.wait_dma2 semaphore(%arg4 : memref<!tpu.dma_semaphore, #tpu.memory_space<semaphore_mem>>) src(%arg3 : memref<32x256xf32, #tpu.memory_space<vmem_shared>>) dst(%dma_wait3A_811 : memref<32x256xf32, #tpu.memory_space<hbm>>)
    %dma_wait3A_812 = arith.constant 0 : i32
    %dma_wait3A_813 = tpu.memref_slice %arg2[%add3A_95, %dma_wait3A_812] : memref<8192x256xf32, #tpu.memory_space<hbm>> -> memref<32x256xf32, #tpu.memory_space<hbm>>
    tpu.wait_dma2 semaphore(%arg4 : memref<!tpu.dma_semaphore, #tpu.memory_space<semaphore_mem>>) src(%arg3 : memref<32x256xf32, #tpu.memory_space<vmem_shared>>) dst(%dma_wait3A_813 : memref<32x256xf32, #tpu.memory_space<hbm>>)
    %dma_wait3A_814 = arith.constant 0 : i32
    %dma_wait3A_815 = tpu.memref_slice %arg2[%add3A_101, %dma_wait3A_814] : memref<8192x256xf32, #tpu.memory_space<hbm>> -> memref<32x256xf32, #tpu.memory_space<hbm>>
    tpu.wait_dma2 semaphore(%arg4 : memref<!tpu.dma_semaphore, #tpu.memory_space<semaphore_mem>>) src(%arg3 : memref<32x256xf32, #tpu.memory_space<vmem_shared>>) dst(%dma_wait3A_815 : memref<32x256xf32, #tpu.memory_space<hbm>>)
    %dma_wait3A_816 = arith.constant 0 : i32
    %dma_wait3A_817 = tpu.memref_slice %arg2[%add3A_107, %dma_wait3A_816] : memref<8192x256xf32, #tpu.memory_space<hbm>> -> memref<32x256xf32, #tpu.memory_space<hbm>>
    tpu.wait_dma2 semaphore(%arg4 : memref<!tpu.dma_semaphore, #tpu.memory_space<semaphore_mem>>) src(%arg3 : memref<32x256xf32, #tpu.memory_space<vmem_shared>>) dst(%dma_wait3A_817 : memref<32x256xf32, #tpu.memory_space<hbm>>)
    %dma_wait3A_818 = arith.constant 0 : i32
    %dma_wait3A_819 = tpu.memref_slice %arg2[%add3A_113, %dma_wait3A_818] : memref<8192x256xf32, #tpu.memory_space<hbm>> -> memref<32x256xf32, #tpu.memory_space<hbm>>
    tpu.wait_dma2 semaphore(%arg4 : memref<!tpu.dma_semaphore, #tpu.memory_space<semaphore_mem>>) src(%arg3 : memref<32x256xf32, #tpu.memory_space<vmem_shared>>) dst(%dma_wait3A_819 : memref<32x256xf32, #tpu.memory_space<hbm>>)
    %dma_wait3A_820 = arith.constant 0 : i32
    %dma_wait3A_821 = tpu.memref_slice %arg2[%add3A_119, %dma_wait3A_820] : memref<8192x256xf32, #tpu.memory_space<hbm>> -> memref<32x256xf32, #tpu.memory_space<hbm>>
    tpu.wait_dma2 semaphore(%arg4 : memref<!tpu.dma_semaphore, #tpu.memory_space<semaphore_mem>>) src(%arg3 : memref<32x256xf32, #tpu.memory_space<vmem_shared>>) dst(%dma_wait3A_821 : memref<32x256xf32, #tpu.memory_space<hbm>>)
    %dma_wait3A_822 = arith.constant 0 : i32
    %dma_wait3A_823 = tpu.memref_slice %arg2[%add3A_125, %dma_wait3A_822] : memref<8192x256xf32, #tpu.memory_space<hbm>> -> memref<32x256xf32, #tpu.memory_space<hbm>>
    tpu.wait_dma2 semaphore(%arg4 : memref<!tpu.dma_semaphore, #tpu.memory_space<semaphore_mem>>) src(%arg3 : memref<32x256xf32, #tpu.memory_space<vmem_shared>>) dst(%dma_wait3A_823 : memref<32x256xf32, #tpu.memory_space<hbm>>)
    %dma_wait3A_824 = arith.constant 0 : i32
    %dma_wait3A_825 = tpu.memref_slice %arg2[%add3A_131, %dma_wait3A_824] : memref<8192x256xf32, #tpu.memory_space<hbm>> -> memref<32x256xf32, #tpu.memory_space<hbm>>
    tpu.wait_dma2 semaphore(%arg4 : memref<!tpu.dma_semaphore, #tpu.memory_space<semaphore_mem>>) src(%arg3 : memref<32x256xf32, #tpu.memory_space<vmem_shared>>) dst(%dma_wait3A_825 : memref<32x256xf32, #tpu.memory_space<hbm>>)
    %dma_wait3A_826 = arith.constant 0 : i32
    %dma_wait3A_827 = tpu.memref_slice %arg2[%add3A_137, %dma_wait3A_826] : memref<8192x256xf32, #tpu.memory_space<hbm>> -> memref<32x256xf32, #tpu.memory_space<hbm>>
    tpu.wait_dma2 semaphore(%arg4 : memref<!tpu.dma_semaphore, #tpu.memory_space<semaphore_mem>>) src(%arg3 : memref<32x256xf32, #tpu.memory_space<vmem_shared>>) dst(%dma_wait3A_827 : memref<32x256xf32, #tpu.memory_space<hbm>>)
    %dma_wait3A_828 = arith.constant 0 : i32
    %dma_wait3A_829 = tpu.memref_slice %arg2[%add3A_143, %dma_wait3A_828] : memref<8192x256xf32, #tpu.memory_space<hbm>> -> memref<32x256xf32, #tpu.memory_space<hbm>>
    tpu.wait_dma2 semaphore(%arg4 : memref<!tpu.dma_semaphore, #tpu.memory_space<semaphore_mem>>) src(%arg3 : memref<32x256xf32, #tpu.memory_space<vmem_shared>>) dst(%dma_wait3A_829 : memref<32x256xf32, #tpu.memory_space<hbm>>)
    %dma_wait3A_830 = arith.constant 0 : i32
    %dma_wait3A_831 = tpu.memref_slice %arg2[%add3A_149, %dma_wait3A_830] : memref<8192x256xf32, #tpu.memory_space<hbm>> -> memref<32x256xf32, #tpu.memory_space<hbm>>
    tpu.wait_dma2 semaphore(%arg4 : memref<!tpu.dma_semaphore, #tpu.memory_space<semaphore_mem>>) src(%arg3 : memref<32x256xf32, #tpu.memory_space<vmem_shared>>) dst(%dma_wait3A_831 : memref<32x256xf32, #tpu.memory_space<hbm>>)
    %dma_wait3A_832 = arith.constant 0 : i32
    %dma_wait3A_833 = tpu.memref_slice %arg2[%add3A_155, %dma_wait3A_832] : memref<8192x256xf32, #tpu.memory_space<hbm>> -> memref<32x256xf32, #tpu.memory_space<hbm>>
    tpu.wait_dma2 semaphore(%arg4 : memref<!tpu.dma_semaphore, #tpu.memory_space<semaphore_mem>>) src(%arg3 : memref<32x256xf32, #tpu.memory_space<vmem_shared>>) dst(%dma_wait3A_833 : memref<32x256xf32, #tpu.memory_space<hbm>>)
    %dma_wait3A_834 = arith.constant 0 : i32
    %dma_wait3A_835 = tpu.memref_slice %arg2[%add3A_161, %dma_wait3A_834] : memref<8192x256xf32, #tpu.memory_space<hbm>> -> memref<32x256xf32, #tpu.memory_space<hbm>>
    tpu.wait_dma2 semaphore(%arg4 : memref<!tpu.dma_semaphore, #tpu.memory_space<semaphore_mem>>) src(%arg3 : memref<32x256xf32, #tpu.memory_space<vmem_shared>>) dst(%dma_wait3A_835 : memref<32x256xf32, #tpu.memory_space<hbm>>)
    %dma_wait3A_836 = arith.constant 0 : i32
    %dma_wait3A_837 = tpu.memref_slice %arg2[%add3A_167, %dma_wait3A_836] : memref<8192x256xf32, #tpu.memory_space<hbm>> -> memref<32x256xf32, #tpu.memory_space<hbm>>
    tpu.wait_dma2 semaphore(%arg4 : memref<!tpu.dma_semaphore, #tpu.memory_space<semaphore_mem>>) src(%arg3 : memref<32x256xf32, #tpu.memory_space<vmem_shared>>) dst(%dma_wait3A_837 : memref<32x256xf32, #tpu.memory_space<hbm>>)
    %dma_wait3A_838 = arith.constant 0 : i32
    %dma_wait3A_839 = tpu.memref_slice %arg2[%add3A_173, %dma_wait3A_838] : memref<8192x256xf32, #tpu.memory_space<hbm>> -> memref<32x256xf32, #tpu.memory_space<hbm>>
    tpu.wait_dma2 semaphore(%arg4 : memref<!tpu.dma_semaphore, #tpu.memory_space<semaphore_mem>>) src(%arg3 : memref<32x256xf32, #tpu.memory_space<vmem_shared>>) dst(%dma_wait3A_839 : memref<32x256xf32, #tpu.memory_space<hbm>>)
    %dma_wait3A_840 = arith.constant 0 : i32
    %dma_wait3A_841 = tpu.memref_slice %arg2[%add3A_179, %dma_wait3A_840] : memref<8192x256xf32, #tpu.memory_space<hbm>> -> memref<32x256xf32, #tpu.memory_space<hbm>>
    tpu.wait_dma2 semaphore(%arg4 : memref<!tpu.dma_semaphore, #tpu.memory_space<semaphore_mem>>) src(%arg3 : memref<32x256xf32, #tpu.memory_space<vmem_shared>>) dst(%dma_wait3A_841 : memref<32x256xf32, #tpu.memory_space<hbm>>)
    %dma_wait3A_842 = arith.constant 0 : i32
    %dma_wait3A_843 = tpu.memref_slice %arg2[%add3A_185, %dma_wait3A_842] : memref<8192x256xf32, #tpu.memory_space<hbm>> -> memref<32x256xf32, #tpu.memory_space<hbm>>
    tpu.wait_dma2 semaphore(%arg4 : memref<!tpu.dma_semaphore, #tpu.memory_space<semaphore_mem>>) src(%arg3 : memref<32x256xf32, #tpu.memory_space<vmem_shared>>) dst(%dma_wait3A_843 : memref<32x256xf32, #tpu.memory_space<hbm>>)
    %dma_wait3A_844 = arith.constant 0 : i32
    %dma_wait3A_845 = tpu.memref_slice %arg2[%add3A_191, %dma_wait3A_844] : memref<8192x256xf32, #tpu.memory_space<hbm>> -> memref<32x256xf32, #tpu.memory_space<hbm>>
    tpu.wait_dma2 semaphore(%arg4 : memref<!tpu.dma_semaphore, #tpu.memory_space<semaphore_mem>>) src(%arg3 : memref<32x256xf32, #tpu.memory_space<vmem_shared>>) dst(%dma_wait3A_845 : memref<32x256xf32, #tpu.memory_space<hbm>>)
    %dma_wait3A_846 = arith.constant 0 : i32
    %dma_wait3A_847 = tpu.memref_slice %arg2[%add3A_197, %dma_wait3A_846] : memref<8192x256xf32, #tpu.memory_space<hbm>> -> memref<32x256xf32, #tpu.memory_space<hbm>>
    tpu.wait_dma2 semaphore(%arg4 : memref<!tpu.dma_semaphore, #tpu.memory_space<semaphore_mem>>) src(%arg3 : memref<32x256xf32, #tpu.memory_space<vmem_shared>>) dst(%dma_wait3A_847 : memref<32x256xf32, #tpu.memory_space<hbm>>)
    %dma_wait3A_848 = arith.constant 0 : i32
    %dma_wait3A_849 = tpu.memref_slice %arg2[%add3A_203, %dma_wait3A_848] : memref<8192x256xf32, #tpu.memory_space<hbm>> -> memref<32x256xf32, #tpu.memory_space<hbm>>
    tpu.wait_dma2 semaphore(%arg4 : memref<!tpu.dma_semaphore, #tpu.memory_space<semaphore_mem>>) src(%arg3 : memref<32x256xf32, #tpu.memory_space<vmem_shared>>) dst(%dma_wait3A_849 : memref<32x256xf32, #tpu.memory_space<hbm>>)
    %dma_wait3A_850 = arith.constant 0 : i32
    %dma_wait3A_851 = tpu.memref_slice %arg2[%add3A_209, %dma_wait3A_850] : memref<8192x256xf32, #tpu.memory_space<hbm>> -> memref<32x256xf32, #tpu.memory_space<hbm>>
    tpu.wait_dma2 semaphore(%arg4 : memref<!tpu.dma_semaphore, #tpu.memory_space<semaphore_mem>>) src(%arg3 : memref<32x256xf32, #tpu.memory_space<vmem_shared>>) dst(%dma_wait3A_851 : memref<32x256xf32, #tpu.memory_space<hbm>>)
    %dma_wait3A_852 = arith.constant 0 : i32
    %dma_wait3A_853 = tpu.memref_slice %arg2[%add3A_215, %dma_wait3A_852] : memref<8192x256xf32, #tpu.memory_space<hbm>> -> memref<32x256xf32, #tpu.memory_space<hbm>>
    tpu.wait_dma2 semaphore(%arg4 : memref<!tpu.dma_semaphore, #tpu.memory_space<semaphore_mem>>) src(%arg3 : memref<32x256xf32, #tpu.memory_space<vmem_shared>>) dst(%dma_wait3A_853 : memref<32x256xf32, #tpu.memory_space<hbm>>)
    %dma_wait3A_854 = arith.constant 0 : i32
    %dma_wait3A_855 = tpu.memref_slice %arg2[%add3A_221, %dma_wait3A_854] : memref<8192x256xf32, #tpu.memory_space<hbm>> -> memref<32x256xf32, #tpu.memory_space<hbm>>
    tpu.wait_dma2 semaphore(%arg4 : memref<!tpu.dma_semaphore, #tpu.memory_space<semaphore_mem>>) src(%arg3 : memref<32x256xf32, #tpu.memory_space<vmem_shared>>) dst(%dma_wait3A_855 : memref<32x256xf32, #tpu.memory_space<hbm>>)
    %dma_wait3A_856 = arith.constant 0 : i32
    %dma_wait3A_857 = tpu.memref_slice %arg2[%add3A_227, %dma_wait3A_856] : memref<8192x256xf32, #tpu.memory_space<hbm>> -> memref<32x256xf32, #tpu.memory_space<hbm>>
    tpu.wait_dma2 semaphore(%arg4 : memref<!tpu.dma_semaphore, #tpu.memory_space<semaphore_mem>>) src(%arg3 : memref<32x256xf32, #tpu.memory_space<vmem_shared>>) dst(%dma_wait3A_857 : memref<32x256xf32, #tpu.memory_space<hbm>>)
    %dma_wait3A_858 = arith.constant 0 : i32
    %dma_wait3A_859 = tpu.memref_slice %arg2[%add3A_233, %dma_wait3A_858] : memref<8192x256xf32, #tpu.memory_space<hbm>> -> memref<32x256xf32, #tpu.memory_space<hbm>>
    tpu.wait_dma2 semaphore(%arg4 : memref<!tpu.dma_semaphore, #tpu.memory_space<semaphore_mem>>) src(%arg3 : memref<32x256xf32, #tpu.memory_space<vmem_shared>>) dst(%dma_wait3A_859 : memref<32x256xf32, #tpu.memory_space<hbm>>)
    %dma_wait3A_860 = arith.constant 0 : i32
    %dma_wait3A_861 = tpu.memref_slice %arg2[%add3A_239, %dma_wait3A_860] : memref<8192x256xf32, #tpu.memory_space<hbm>> -> memref<32x256xf32, #tpu.memory_space<hbm>>
    tpu.wait_dma2 semaphore(%arg4 : memref<!tpu.dma_semaphore, #tpu.memory_space<semaphore_mem>>) src(%arg3 : memref<32x256xf32, #tpu.memory_space<vmem_shared>>) dst(%dma_wait3A_861 : memref<32x256xf32, #tpu.memory_space<hbm>>)
    %dma_wait3A_862 = arith.constant 0 : i32
    %dma_wait3A_863 = tpu.memref_slice %arg2[%add3A_245, %dma_wait3A_862] : memref<8192x256xf32, #tpu.memory_space<hbm>> -> memref<32x256xf32, #tpu.memory_space<hbm>>
    tpu.wait_dma2 semaphore(%arg4 : memref<!tpu.dma_semaphore, #tpu.memory_space<semaphore_mem>>) src(%arg3 : memref<32x256xf32, #tpu.memory_space<vmem_shared>>) dst(%dma_wait3A_863 : memref<32x256xf32, #tpu.memory_space<hbm>>)
    %dma_wait3A_864 = arith.constant 0 : i32
    %dma_wait3A_865 = tpu.memref_slice %arg2[%add3A_251, %dma_wait3A_864] : memref<8192x256xf32, #tpu.memory_space<hbm>> -> memref<32x256xf32, #tpu.memory_space<hbm>>
    tpu.wait_dma2 semaphore(%arg4 : memref<!tpu.dma_semaphore, #tpu.memory_space<semaphore_mem>>) src(%arg3 : memref<32x256xf32, #tpu.memory_space<vmem_shared>>) dst(%dma_wait3A_865 : memref<32x256xf32, #tpu.memory_space<hbm>>)
    %dma_wait3A_866 = arith.constant 0 : i32
    %dma_wait3A_867 = tpu.memref_slice %arg2[%add3A_257, %dma_wait3A_866] : memref<8192x256xf32, #tpu.memory_space<hbm>> -> memref<32x256xf32, #tpu.memory_space<hbm>>
    tpu.wait_dma2 semaphore(%arg4 : memref<!tpu.dma_semaphore, #tpu.memory_space<semaphore_mem>>) src(%arg3 : memref<32x256xf32, #tpu.memory_space<vmem_shared>>) dst(%dma_wait3A_867 : memref<32x256xf32, #tpu.memory_space<hbm>>)
    %dma_wait3A_868 = arith.constant 0 : i32
    %dma_wait3A_869 = tpu.memref_slice %arg2[%add3A_263, %dma_wait3A_868] : memref<8192x256xf32, #tpu.memory_space<hbm>> -> memref<32x256xf32, #tpu.memory_space<hbm>>
    tpu.wait_dma2 semaphore(%arg4 : memref<!tpu.dma_semaphore, #tpu.memory_space<semaphore_mem>>) src(%arg3 : memref<32x256xf32, #tpu.memory_space<vmem_shared>>) dst(%dma_wait3A_869 : memref<32x256xf32, #tpu.memory_space<hbm>>)
    %dma_wait3A_870 = arith.constant 0 : i32
    %dma_wait3A_871 = tpu.memref_slice %arg2[%add3A_269, %dma_wait3A_870] : memref<8192x256xf32, #tpu.memory_space<hbm>> -> memref<32x256xf32, #tpu.memory_space<hbm>>
    tpu.wait_dma2 semaphore(%arg4 : memref<!tpu.dma_semaphore, #tpu.memory_space<semaphore_mem>>) src(%arg3 : memref<32x256xf32, #tpu.memory_space<vmem_shared>>) dst(%dma_wait3A_871 : memref<32x256xf32, #tpu.memory_space<hbm>>)
    %dma_wait3A_872 = arith.constant 0 : i32
    %dma_wait3A_873 = tpu.memref_slice %arg2[%add3A_275, %dma_wait3A_872] : memref<8192x256xf32, #tpu.memory_space<hbm>> -> memref<32x256xf32, #tpu.memory_space<hbm>>
    tpu.wait_dma2 semaphore(%arg4 : memref<!tpu.dma_semaphore, #tpu.memory_space<semaphore_mem>>) src(%arg3 : memref<32x256xf32, #tpu.memory_space<vmem_shared>>) dst(%dma_wait3A_873 : memref<32x256xf32, #tpu.memory_space<hbm>>)
    %dma_wait3A_874 = arith.constant 0 : i32
    %dma_wait3A_875 = tpu.memref_slice %arg2[%add3A_281, %dma_wait3A_874] : memref<8192x256xf32, #tpu.memory_space<hbm>> -> memref<32x256xf32, #tpu.memory_space<hbm>>
    tpu.wait_dma2 semaphore(%arg4 : memref<!tpu.dma_semaphore, #tpu.memory_space<semaphore_mem>>) src(%arg3 : memref<32x256xf32, #tpu.memory_space<vmem_shared>>) dst(%dma_wait3A_875 : memref<32x256xf32, #tpu.memory_space<hbm>>)
    %dma_wait3A_876 = arith.constant 0 : i32
    %dma_wait3A_877 = tpu.memref_slice %arg2[%add3A_287, %dma_wait3A_876] : memref<8192x256xf32, #tpu.memory_space<hbm>> -> memref<32x256xf32, #tpu.memory_space<hbm>>
    tpu.wait_dma2 semaphore(%arg4 : memref<!tpu.dma_semaphore, #tpu.memory_space<semaphore_mem>>) src(%arg3 : memref<32x256xf32, #tpu.memory_space<vmem_shared>>) dst(%dma_wait3A_877 : memref<32x256xf32, #tpu.memory_space<hbm>>)
    %dma_wait3A_878 = arith.constant 0 : i32
    %dma_wait3A_879 = tpu.memref_slice %arg2[%add3A_293, %dma_wait3A_878] : memref<8192x256xf32, #tpu.memory_space<hbm>> -> memref<32x256xf32, #tpu.memory_space<hbm>>
    tpu.wait_dma2 semaphore(%arg4 : memref<!tpu.dma_semaphore, #tpu.memory_space<semaphore_mem>>) src(%arg3 : memref<32x256xf32, #tpu.memory_space<vmem_shared>>) dst(%dma_wait3A_879 : memref<32x256xf32, #tpu.memory_space<hbm>>)
    %dma_wait3A_880 = arith.constant 0 : i32
    %dma_wait3A_881 = tpu.memref_slice %arg2[%add3A_299, %dma_wait3A_880] : memref<8192x256xf32, #tpu.memory_space<hbm>> -> memref<32x256xf32, #tpu.memory_space<hbm>>
    tpu.wait_dma2 semaphore(%arg4 : memref<!tpu.dma_semaphore, #tpu.memory_space<semaphore_mem>>) src(%arg3 : memref<32x256xf32, #tpu.memory_space<vmem_shared>>) dst(%dma_wait3A_881 : memref<32x256xf32, #tpu.memory_space<hbm>>)
    %dma_wait3A_882 = arith.constant 0 : i32
    %dma_wait3A_883 = tpu.memref_slice %arg2[%add3A_305, %dma_wait3A_882] : memref<8192x256xf32, #tpu.memory_space<hbm>> -> memref<32x256xf32, #tpu.memory_space<hbm>>
    tpu.wait_dma2 semaphore(%arg4 : memref<!tpu.dma_semaphore, #tpu.memory_space<semaphore_mem>>) src(%arg3 : memref<32x256xf32, #tpu.memory_space<vmem_shared>>) dst(%dma_wait3A_883 : memref<32x256xf32, #tpu.memory_space<hbm>>)
    %dma_wait3A_884 = arith.constant 0 : i32
    %dma_wait3A_885 = tpu.memref_slice %arg2[%add3A_311, %dma_wait3A_884] : memref<8192x256xf32, #tpu.memory_space<hbm>> -> memref<32x256xf32, #tpu.memory_space<hbm>>
    tpu.wait_dma2 semaphore(%arg4 : memref<!tpu.dma_semaphore, #tpu.memory_space<semaphore_mem>>) src(%arg3 : memref<32x256xf32, #tpu.memory_space<vmem_shared>>) dst(%dma_wait3A_885 : memref<32x256xf32, #tpu.memory_space<hbm>>)
    %dma_wait3A_886 = arith.constant 0 : i32
    %dma_wait3A_887 = tpu.memref_slice %arg2[%add3A_317, %dma_wait3A_886] : memref<8192x256xf32, #tpu.memory_space<hbm>> -> memref<32x256xf32, #tpu.memory_space<hbm>>
    tpu.wait_dma2 semaphore(%arg4 : memref<!tpu.dma_semaphore, #tpu.memory_space<semaphore_mem>>) src(%arg3 : memref<32x256xf32, #tpu.memory_space<vmem_shared>>) dst(%dma_wait3A_887 : memref<32x256xf32, #tpu.memory_space<hbm>>)
    %dma_wait3A_888 = arith.constant 0 : i32
    %dma_wait3A_889 = tpu.memref_slice %arg2[%add3A_323, %dma_wait3A_888] : memref<8192x256xf32, #tpu.memory_space<hbm>> -> memref<32x256xf32, #tpu.memory_space<hbm>>
    tpu.wait_dma2 semaphore(%arg4 : memref<!tpu.dma_semaphore, #tpu.memory_space<semaphore_mem>>) src(%arg3 : memref<32x256xf32, #tpu.memory_space<vmem_shared>>) dst(%dma_wait3A_889 : memref<32x256xf32, #tpu.memory_space<hbm>>)
    %dma_wait3A_890 = arith.constant 0 : i32
    %dma_wait3A_891 = tpu.memref_slice %arg2[%add3A_329, %dma_wait3A_890] : memref<8192x256xf32, #tpu.memory_space<hbm>> -> memref<32x256xf32, #tpu.memory_space<hbm>>
    tpu.wait_dma2 semaphore(%arg4 : memref<!tpu.dma_semaphore, #tpu.memory_space<semaphore_mem>>) src(%arg3 : memref<32x256xf32, #tpu.memory_space<vmem_shared>>) dst(%dma_wait3A_891 : memref<32x256xf32, #tpu.memory_space<hbm>>)
    %dma_wait3A_892 = arith.constant 0 : i32
    %dma_wait3A_893 = tpu.memref_slice %arg2[%add3A_335, %dma_wait3A_892] : memref<8192x256xf32, #tpu.memory_space<hbm>> -> memref<32x256xf32, #tpu.memory_space<hbm>>
    tpu.wait_dma2 semaphore(%arg4 : memref<!tpu.dma_semaphore, #tpu.memory_space<semaphore_mem>>) src(%arg3 : memref<32x256xf32, #tpu.memory_space<vmem_shared>>) dst(%dma_wait3A_893 : memref<32x256xf32, #tpu.memory_space<hbm>>)
    %dma_wait3A_894 = arith.constant 0 : i32
    %dma_wait3A_895 = tpu.memref_slice %arg2[%add3A_341, %dma_wait3A_894] : memref<8192x256xf32, #tpu.memory_space<hbm>> -> memref<32x256xf32, #tpu.memory_space<hbm>>
    tpu.wait_dma2 semaphore(%arg4 : memref<!tpu.dma_semaphore, #tpu.memory_space<semaphore_mem>>) src(%arg3 : memref<32x256xf32, #tpu.memory_space<vmem_shared>>) dst(%dma_wait3A_895 : memref<32x256xf32, #tpu.memory_space<hbm>>)
    %dma_wait3A_896 = arith.constant 0 : i32
    %dma_wait3A_897 = tpu.memref_slice %arg2[%add3A_347, %dma_wait3A_896] : memref<8192x256xf32, #tpu.memory_space<hbm>> -> memref<32x256xf32, #tpu.memory_space<hbm>>
    tpu.wait_dma2 semaphore(%arg4 : memref<!tpu.dma_semaphore, #tpu.memory_space<semaphore_mem>>) src(%arg3 : memref<32x256xf32, #tpu.memory_space<vmem_shared>>) dst(%dma_wait3A_897 : memref<32x256xf32, #tpu.memory_space<hbm>>)
    %dma_wait3A_898 = arith.constant 0 : i32
    %dma_wait3A_899 = tpu.memref_slice %arg2[%add3A_353, %dma_wait3A_898] : memref<8192x256xf32, #tpu.memory_space<hbm>> -> memref<32x256xf32, #tpu.memory_space<hbm>>
    tpu.wait_dma2 semaphore(%arg4 : memref<!tpu.dma_semaphore, #tpu.memory_space<semaphore_mem>>) src(%arg3 : memref<32x256xf32, #tpu.memory_space<vmem_shared>>) dst(%dma_wait3A_899 : memref<32x256xf32, #tpu.memory_space<hbm>>)
    %dma_wait3A_900 = arith.constant 0 : i32
    %dma_wait3A_901 = tpu.memref_slice %arg2[%add3A_359, %dma_wait3A_900] : memref<8192x256xf32, #tpu.memory_space<hbm>> -> memref<32x256xf32, #tpu.memory_space<hbm>>
    tpu.wait_dma2 semaphore(%arg4 : memref<!tpu.dma_semaphore, #tpu.memory_space<semaphore_mem>>) src(%arg3 : memref<32x256xf32, #tpu.memory_space<vmem_shared>>) dst(%dma_wait3A_901 : memref<32x256xf32, #tpu.memory_space<hbm>>)
    %dma_wait3A_902 = arith.constant 0 : i32
    %dma_wait3A_903 = tpu.memref_slice %arg2[%add3A_365, %dma_wait3A_902] : memref<8192x256xf32, #tpu.memory_space<hbm>> -> memref<32x256xf32, #tpu.memory_space<hbm>>
    tpu.wait_dma2 semaphore(%arg4 : memref<!tpu.dma_semaphore, #tpu.memory_space<semaphore_mem>>) src(%arg3 : memref<32x256xf32, #tpu.memory_space<vmem_shared>>) dst(%dma_wait3A_903 : memref<32x256xf32, #tpu.memory_space<hbm>>)
    %dma_wait3A_904 = arith.constant 0 : i32
    %dma_wait3A_905 = tpu.memref_slice %arg2[%add3A_371, %dma_wait3A_904] : memref<8192x256xf32, #tpu.memory_space<hbm>> -> memref<32x256xf32, #tpu.memory_space<hbm>>
    tpu.wait_dma2 semaphore(%arg4 : memref<!tpu.dma_semaphore, #tpu.memory_space<semaphore_mem>>) src(%arg3 : memref<32x256xf32, #tpu.memory_space<vmem_shared>>) dst(%dma_wait3A_905 : memref<32x256xf32, #tpu.memory_space<hbm>>)
    %dma_wait3A_906 = arith.constant 0 : i32
    %dma_wait3A_907 = tpu.memref_slice %arg2[%add3A_377, %dma_wait3A_906] : memref<8192x256xf32, #tpu.memory_space<hbm>> -> memref<32x256xf32, #tpu.memory_space<hbm>>
    tpu.wait_dma2 semaphore(%arg4 : memref<!tpu.dma_semaphore, #tpu.memory_space<semaphore_mem>>) src(%arg3 : memref<32x256xf32, #tpu.memory_space<vmem_shared>>) dst(%dma_wait3A_907 : memref<32x256xf32, #tpu.memory_space<hbm>>)
    %dma_wait3A_908 = arith.constant 0 : i32
    %dma_wait3A_909 = tpu.memref_slice %arg2[%add3A_383, %dma_wait3A_908] : memref<8192x256xf32, #tpu.memory_space<hbm>> -> memref<32x256xf32, #tpu.memory_space<hbm>>
    tpu.wait_dma2 semaphore(%arg4 : memref<!tpu.dma_semaphore, #tpu.memory_space<semaphore_mem>>) src(%arg3 : memref<32x256xf32, #tpu.memory_space<vmem_shared>>) dst(%dma_wait3A_909 : memref<32x256xf32, #tpu.memory_space<hbm>>)
    %dma_wait3A_910 = arith.constant 0 : i32
    %dma_wait3A_911 = tpu.memref_slice %arg2[%add3A_389, %dma_wait3A_910] : memref<8192x256xf32, #tpu.memory_space<hbm>> -> memref<32x256xf32, #tpu.memory_space<hbm>>
    tpu.wait_dma2 semaphore(%arg4 : memref<!tpu.dma_semaphore, #tpu.memory_space<semaphore_mem>>) src(%arg3 : memref<32x256xf32, #tpu.memory_space<vmem_shared>>) dst(%dma_wait3A_911 : memref<32x256xf32, #tpu.memory_space<hbm>>)
    %dma_wait3A_912 = arith.constant 0 : i32
    %dma_wait3A_913 = tpu.memref_slice %arg2[%add3A_395, %dma_wait3A_912] : memref<8192x256xf32, #tpu.memory_space<hbm>> -> memref<32x256xf32, #tpu.memory_space<hbm>>
    tpu.wait_dma2 semaphore(%arg4 : memref<!tpu.dma_semaphore, #tpu.memory_space<semaphore_mem>>) src(%arg3 : memref<32x256xf32, #tpu.memory_space<vmem_shared>>) dst(%dma_wait3A_913 : memref<32x256xf32, #tpu.memory_space<hbm>>)
    %dma_wait3A_914 = arith.constant 0 : i32
    %dma_wait3A_915 = tpu.memref_slice %arg2[%add3A_401, %dma_wait3A_914] : memref<8192x256xf32, #tpu.memory_space<hbm>> -> memref<32x256xf32, #tpu.memory_space<hbm>>
    tpu.wait_dma2 semaphore(%arg4 : memref<!tpu.dma_semaphore, #tpu.memory_space<semaphore_mem>>) src(%arg3 : memref<32x256xf32, #tpu.memory_space<vmem_shared>>) dst(%dma_wait3A_915 : memref<32x256xf32, #tpu.memory_space<hbm>>)
    %dma_wait3A_916 = arith.constant 0 : i32
    %dma_wait3A_917 = tpu.memref_slice %arg2[%add3A_407, %dma_wait3A_916] : memref<8192x256xf32, #tpu.memory_space<hbm>> -> memref<32x256xf32, #tpu.memory_space<hbm>>
    tpu.wait_dma2 semaphore(%arg4 : memref<!tpu.dma_semaphore, #tpu.memory_space<semaphore_mem>>) src(%arg3 : memref<32x256xf32, #tpu.memory_space<vmem_shared>>) dst(%dma_wait3A_917 : memref<32x256xf32, #tpu.memory_space<hbm>>)
    %dma_wait3A_918 = arith.constant 0 : i32
    %dma_wait3A_919 = tpu.memref_slice %arg2[%add3A_413, %dma_wait3A_918] : memref<8192x256xf32, #tpu.memory_space<hbm>> -> memref<32x256xf32, #tpu.memory_space<hbm>>
    tpu.wait_dma2 semaphore(%arg4 : memref<!tpu.dma_semaphore, #tpu.memory_space<semaphore_mem>>) src(%arg3 : memref<32x256xf32, #tpu.memory_space<vmem_shared>>) dst(%dma_wait3A_919 : memref<32x256xf32, #tpu.memory_space<hbm>>)
    %dma_wait3A_920 = arith.constant 0 : i32
    %dma_wait3A_921 = tpu.memref_slice %arg2[%add3A_419, %dma_wait3A_920] : memref<8192x256xf32, #tpu.memory_space<hbm>> -> memref<32x256xf32, #tpu.memory_space<hbm>>
    tpu.wait_dma2 semaphore(%arg4 : memref<!tpu.dma_semaphore, #tpu.memory_space<semaphore_mem>>) src(%arg3 : memref<32x256xf32, #tpu.memory_space<vmem_shared>>) dst(%dma_wait3A_921 : memref<32x256xf32, #tpu.memory_space<hbm>>)
    %dma_wait3A_922 = arith.constant 0 : i32
    %dma_wait3A_923 = tpu.memref_slice %arg2[%add3A_425, %dma_wait3A_922] : memref<8192x256xf32, #tpu.memory_space<hbm>> -> memref<32x256xf32, #tpu.memory_space<hbm>>
    tpu.wait_dma2 semaphore(%arg4 : memref<!tpu.dma_semaphore, #tpu.memory_space<semaphore_mem>>) src(%arg3 : memref<32x256xf32, #tpu.memory_space<vmem_shared>>) dst(%dma_wait3A_923 : memref<32x256xf32, #tpu.memory_space<hbm>>)
    %dma_wait3A_924 = arith.constant 0 : i32
    %dma_wait3A_925 = tpu.memref_slice %arg2[%add3A_431, %dma_wait3A_924] : memref<8192x256xf32, #tpu.memory_space<hbm>> -> memref<32x256xf32, #tpu.memory_space<hbm>>
    tpu.wait_dma2 semaphore(%arg4 : memref<!tpu.dma_semaphore, #tpu.memory_space<semaphore_mem>>) src(%arg3 : memref<32x256xf32, #tpu.memory_space<vmem_shared>>) dst(%dma_wait3A_925 : memref<32x256xf32, #tpu.memory_space<hbm>>)
    %dma_wait3A_926 = arith.constant 0 : i32
    %dma_wait3A_927 = tpu.memref_slice %arg2[%add3A_437, %dma_wait3A_926] : memref<8192x256xf32, #tpu.memory_space<hbm>> -> memref<32x256xf32, #tpu.memory_space<hbm>>
    tpu.wait_dma2 semaphore(%arg4 : memref<!tpu.dma_semaphore, #tpu.memory_space<semaphore_mem>>) src(%arg3 : memref<32x256xf32, #tpu.memory_space<vmem_shared>>) dst(%dma_wait3A_927 : memref<32x256xf32, #tpu.memory_space<hbm>>)
    %dma_wait3A_928 = arith.constant 0 : i32
    %dma_wait3A_929 = tpu.memref_slice %arg2[%add3A_443, %dma_wait3A_928] : memref<8192x256xf32, #tpu.memory_space<hbm>> -> memref<32x256xf32, #tpu.memory_space<hbm>>
    tpu.wait_dma2 semaphore(%arg4 : memref<!tpu.dma_semaphore, #tpu.memory_space<semaphore_mem>>) src(%arg3 : memref<32x256xf32, #tpu.memory_space<vmem_shared>>) dst(%dma_wait3A_929 : memref<32x256xf32, #tpu.memory_space<hbm>>)
    %dma_wait3A_930 = arith.constant 0 : i32
    %dma_wait3A_931 = tpu.memref_slice %arg2[%add3A_449, %dma_wait3A_930] : memref<8192x256xf32, #tpu.memory_space<hbm>> -> memref<32x256xf32, #tpu.memory_space<hbm>>
    tpu.wait_dma2 semaphore(%arg4 : memref<!tpu.dma_semaphore, #tpu.memory_space<semaphore_mem>>) src(%arg3 : memref<32x256xf32, #tpu.memory_space<vmem_shared>>) dst(%dma_wait3A_931 : memref<32x256xf32, #tpu.memory_space<hbm>>)
    %dma_wait3A_932 = arith.constant 0 : i32
    %dma_wait3A_933 = tpu.memref_slice %arg2[%add3A_455, %dma_wait3A_932] : memref<8192x256xf32, #tpu.memory_space<hbm>> -> memref<32x256xf32, #tpu.memory_space<hbm>>
    tpu.wait_dma2 semaphore(%arg4 : memref<!tpu.dma_semaphore, #tpu.memory_space<semaphore_mem>>) src(%arg3 : memref<32x256xf32, #tpu.memory_space<vmem_shared>>) dst(%dma_wait3A_933 : memref<32x256xf32, #tpu.memory_space<hbm>>)
    %dma_wait3A_934 = arith.constant 0 : i32
    %dma_wait3A_935 = tpu.memref_slice %arg2[%add3A_461, %dma_wait3A_934] : memref<8192x256xf32, #tpu.memory_space<hbm>> -> memref<32x256xf32, #tpu.memory_space<hbm>>
    tpu.wait_dma2 semaphore(%arg4 : memref<!tpu.dma_semaphore, #tpu.memory_space<semaphore_mem>>) src(%arg3 : memref<32x256xf32, #tpu.memory_space<vmem_shared>>) dst(%dma_wait3A_935 : memref<32x256xf32, #tpu.memory_space<hbm>>)
    %dma_wait3A_936 = arith.constant 0 : i32
    %dma_wait3A_937 = tpu.memref_slice %arg2[%add3A_467, %dma_wait3A_936] : memref<8192x256xf32, #tpu.memory_space<hbm>> -> memref<32x256xf32, #tpu.memory_space<hbm>>
    tpu.wait_dma2 semaphore(%arg4 : memref<!tpu.dma_semaphore, #tpu.memory_space<semaphore_mem>>) src(%arg3 : memref<32x256xf32, #tpu.memory_space<vmem_shared>>) dst(%dma_wait3A_937 : memref<32x256xf32, #tpu.memory_space<hbm>>)
    %dma_wait3A_938 = arith.constant 0 : i32
    %dma_wait3A_939 = tpu.memref_slice %arg2[%add3A_473, %dma_wait3A_938] : memref<8192x256xf32, #tpu.memory_space<hbm>> -> memref<32x256xf32, #tpu.memory_space<hbm>>
    tpu.wait_dma2 semaphore(%arg4 : memref<!tpu.dma_semaphore, #tpu.memory_space<semaphore_mem>>) src(%arg3 : memref<32x256xf32, #tpu.memory_space<vmem_shared>>) dst(%dma_wait3A_939 : memref<32x256xf32, #tpu.memory_space<hbm>>)
    %dma_wait3A_940 = arith.constant 0 : i32
    %dma_wait3A_941 = tpu.memref_slice %arg2[%add3A_479, %dma_wait3A_940] : memref<8192x256xf32, #tpu.memory_space<hbm>> -> memref<32x256xf32, #tpu.memory_space<hbm>>
    tpu.wait_dma2 semaphore(%arg4 : memref<!tpu.dma_semaphore, #tpu.memory_space<semaphore_mem>>) src(%arg3 : memref<32x256xf32, #tpu.memory_space<vmem_shared>>) dst(%dma_wait3A_941 : memref<32x256xf32, #tpu.memory_space<hbm>>)
    %dma_wait3A_942 = arith.constant 0 : i32
    %dma_wait3A_943 = tpu.memref_slice %arg2[%add3A_485, %dma_wait3A_942] : memref<8192x256xf32, #tpu.memory_space<hbm>> -> memref<32x256xf32, #tpu.memory_space<hbm>>
    tpu.wait_dma2 semaphore(%arg4 : memref<!tpu.dma_semaphore, #tpu.memory_space<semaphore_mem>>) src(%arg3 : memref<32x256xf32, #tpu.memory_space<vmem_shared>>) dst(%dma_wait3A_943 : memref<32x256xf32, #tpu.memory_space<hbm>>)
    %dma_wait3A_944 = arith.constant 0 : i32
    %dma_wait3A_945 = tpu.memref_slice %arg2[%add3A_491, %dma_wait3A_944] : memref<8192x256xf32, #tpu.memory_space<hbm>> -> memref<32x256xf32, #tpu.memory_space<hbm>>
    tpu.wait_dma2 semaphore(%arg4 : memref<!tpu.dma_semaphore, #tpu.memory_space<semaphore_mem>>) src(%arg3 : memref<32x256xf32, #tpu.memory_space<vmem_shared>>) dst(%dma_wait3A_945 : memref<32x256xf32, #tpu.memory_space<hbm>>)
    %dma_wait3A_946 = arith.constant 0 : i32
    %dma_wait3A_947 = tpu.memref_slice %arg2[%add3A_497, %dma_wait3A_946] : memref<8192x256xf32, #tpu.memory_space<hbm>> -> memref<32x256xf32, #tpu.memory_space<hbm>>
    tpu.wait_dma2 semaphore(%arg4 : memref<!tpu.dma_semaphore, #tpu.memory_space<semaphore_mem>>) src(%arg3 : memref<32x256xf32, #tpu.memory_space<vmem_shared>>) dst(%dma_wait3A_947 : memref<32x256xf32, #tpu.memory_space<hbm>>)
    %dma_wait3A_948 = arith.constant 0 : i32
    %dma_wait3A_949 = tpu.memref_slice %arg2[%add3A_503, %dma_wait3A_948] : memref<8192x256xf32, #tpu.memory_space<hbm>> -> memref<32x256xf32, #tpu.memory_space<hbm>>
    tpu.wait_dma2 semaphore(%arg4 : memref<!tpu.dma_semaphore, #tpu.memory_space<semaphore_mem>>) src(%arg3 : memref<32x256xf32, #tpu.memory_space<vmem_shared>>) dst(%dma_wait3A_949 : memref<32x256xf32, #tpu.memory_space<hbm>>)
    %dma_wait3A_950 = arith.constant 0 : i32
    %dma_wait3A_951 = tpu.memref_slice %arg2[%add3A_509, %dma_wait3A_950] : memref<8192x256xf32, #tpu.memory_space<hbm>> -> memref<32x256xf32, #tpu.memory_space<hbm>>
    tpu.wait_dma2 semaphore(%arg4 : memref<!tpu.dma_semaphore, #tpu.memory_space<semaphore_mem>>) src(%arg3 : memref<32x256xf32, #tpu.memory_space<vmem_shared>>) dst(%dma_wait3A_951 : memref<32x256xf32, #tpu.memory_space<hbm>>)
    %dma_wait3A_952 = arith.constant 0 : i32
    %dma_wait3A_953 = tpu.memref_slice %arg2[%add3A_515, %dma_wait3A_952] : memref<8192x256xf32, #tpu.memory_space<hbm>> -> memref<32x256xf32, #tpu.memory_space<hbm>>
    tpu.wait_dma2 semaphore(%arg4 : memref<!tpu.dma_semaphore, #tpu.memory_space<semaphore_mem>>) src(%arg3 : memref<32x256xf32, #tpu.memory_space<vmem_shared>>) dst(%dma_wait3A_953 : memref<32x256xf32, #tpu.memory_space<hbm>>)
    %dma_wait3A_954 = arith.constant 0 : i32
    %dma_wait3A_955 = tpu.memref_slice %arg2[%add3A_521, %dma_wait3A_954] : memref<8192x256xf32, #tpu.memory_space<hbm>> -> memref<32x256xf32, #tpu.memory_space<hbm>>
    tpu.wait_dma2 semaphore(%arg4 : memref<!tpu.dma_semaphore, #tpu.memory_space<semaphore_mem>>) src(%arg3 : memref<32x256xf32, #tpu.memory_space<vmem_shared>>) dst(%dma_wait3A_955 : memref<32x256xf32, #tpu.memory_space<hbm>>)
    %dma_wait3A_956 = arith.constant 0 : i32
    %dma_wait3A_957 = tpu.memref_slice %arg2[%add3A_527, %dma_wait3A_956] : memref<8192x256xf32, #tpu.memory_space<hbm>> -> memref<32x256xf32, #tpu.memory_space<hbm>>
    tpu.wait_dma2 semaphore(%arg4 : memref<!tpu.dma_semaphore, #tpu.memory_space<semaphore_mem>>) src(%arg3 : memref<32x256xf32, #tpu.memory_space<vmem_shared>>) dst(%dma_wait3A_957 : memref<32x256xf32, #tpu.memory_space<hbm>>)
    %dma_wait3A_958 = arith.constant 0 : i32
    %dma_wait3A_959 = tpu.memref_slice %arg2[%add3A_533, %dma_wait3A_958] : memref<8192x256xf32, #tpu.memory_space<hbm>> -> memref<32x256xf32, #tpu.memory_space<hbm>>
    tpu.wait_dma2 semaphore(%arg4 : memref<!tpu.dma_semaphore, #tpu.memory_space<semaphore_mem>>) src(%arg3 : memref<32x256xf32, #tpu.memory_space<vmem_shared>>) dst(%dma_wait3A_959 : memref<32x256xf32, #tpu.memory_space<hbm>>)
    %dma_wait3A_960 = arith.constant 0 : i32
    %dma_wait3A_961 = tpu.memref_slice %arg2[%add3A_539, %dma_wait3A_960] : memref<8192x256xf32, #tpu.memory_space<hbm>> -> memref<32x256xf32, #tpu.memory_space<hbm>>
    tpu.wait_dma2 semaphore(%arg4 : memref<!tpu.dma_semaphore, #tpu.memory_space<semaphore_mem>>) src(%arg3 : memref<32x256xf32, #tpu.memory_space<vmem_shared>>) dst(%dma_wait3A_961 : memref<32x256xf32, #tpu.memory_space<hbm>>)
    %dma_wait3A_962 = arith.constant 0 : i32
    %dma_wait3A_963 = tpu.memref_slice %arg2[%add3A_545, %dma_wait3A_962] : memref<8192x256xf32, #tpu.memory_space<hbm>> -> memref<32x256xf32, #tpu.memory_space<hbm>>
    tpu.wait_dma2 semaphore(%arg4 : memref<!tpu.dma_semaphore, #tpu.memory_space<semaphore_mem>>) src(%arg3 : memref<32x256xf32, #tpu.memory_space<vmem_shared>>) dst(%dma_wait3A_963 : memref<32x256xf32, #tpu.memory_space<hbm>>)
    %dma_wait3A_964 = arith.constant 0 : i32
    %dma_wait3A_965 = tpu.memref_slice %arg2[%add3A_551, %dma_wait3A_964] : memref<8192x256xf32, #tpu.memory_space<hbm>> -> memref<32x256xf32, #tpu.memory_space<hbm>>
    tpu.wait_dma2 semaphore(%arg4 : memref<!tpu.dma_semaphore, #tpu.memory_space<semaphore_mem>>) src(%arg3 : memref<32x256xf32, #tpu.memory_space<vmem_shared>>) dst(%dma_wait3A_965 : memref<32x256xf32, #tpu.memory_space<hbm>>)
    %dma_wait3A_966 = arith.constant 0 : i32
    %dma_wait3A_967 = tpu.memref_slice %arg2[%add3A_557, %dma_wait3A_966] : memref<8192x256xf32, #tpu.memory_space<hbm>> -> memref<32x256xf32, #tpu.memory_space<hbm>>
    tpu.wait_dma2 semaphore(%arg4 : memref<!tpu.dma_semaphore, #tpu.memory_space<semaphore_mem>>) src(%arg3 : memref<32x256xf32, #tpu.memory_space<vmem_shared>>) dst(%dma_wait3A_967 : memref<32x256xf32, #tpu.memory_space<hbm>>)
    %dma_wait3A_968 = arith.constant 0 : i32
    %dma_wait3A_969 = tpu.memref_slice %arg2[%add3A_563, %dma_wait3A_968] : memref<8192x256xf32, #tpu.memory_space<hbm>> -> memref<32x256xf32, #tpu.memory_space<hbm>>
    tpu.wait_dma2 semaphore(%arg4 : memref<!tpu.dma_semaphore, #tpu.memory_space<semaphore_mem>>) src(%arg3 : memref<32x256xf32, #tpu.memory_space<vmem_shared>>) dst(%dma_wait3A_969 : memref<32x256xf32, #tpu.memory_space<hbm>>)
    %dma_wait3A_970 = arith.constant 0 : i32
    %dma_wait3A_971 = tpu.memref_slice %arg2[%add3A_569, %dma_wait3A_970] : memref<8192x256xf32, #tpu.memory_space<hbm>> -> memref<32x256xf32, #tpu.memory_space<hbm>>
    tpu.wait_dma2 semaphore(%arg4 : memref<!tpu.dma_semaphore, #tpu.memory_space<semaphore_mem>>) src(%arg3 : memref<32x256xf32, #tpu.memory_space<vmem_shared>>) dst(%dma_wait3A_971 : memref<32x256xf32, #tpu.memory_space<hbm>>)
    %dma_wait3A_972 = arith.constant 0 : i32
    %dma_wait3A_973 = tpu.memref_slice %arg2[%add3A_575, %dma_wait3A_972] : memref<8192x256xf32, #tpu.memory_space<hbm>> -> memref<32x256xf32, #tpu.memory_space<hbm>>
    tpu.wait_dma2 semaphore(%arg4 : memref<!tpu.dma_semaphore, #tpu.memory_space<semaphore_mem>>) src(%arg3 : memref<32x256xf32, #tpu.memory_space<vmem_shared>>) dst(%dma_wait3A_973 : memref<32x256xf32, #tpu.memory_space<hbm>>)
    %dma_wait3A_974 = arith.constant 0 : i32
    %dma_wait3A_975 = tpu.memref_slice %arg2[%add3A_581, %dma_wait3A_974] : memref<8192x256xf32, #tpu.memory_space<hbm>> -> memref<32x256xf32, #tpu.memory_space<hbm>>
    tpu.wait_dma2 semaphore(%arg4 : memref<!tpu.dma_semaphore, #tpu.memory_space<semaphore_mem>>) src(%arg3 : memref<32x256xf32, #tpu.memory_space<vmem_shared>>) dst(%dma_wait3A_975 : memref<32x256xf32, #tpu.memory_space<hbm>>)
    %dma_wait3A_976 = arith.constant 0 : i32
    %dma_wait3A_977 = tpu.memref_slice %arg2[%add3A_587, %dma_wait3A_976] : memref<8192x256xf32, #tpu.memory_space<hbm>> -> memref<32x256xf32, #tpu.memory_space<hbm>>
    tpu.wait_dma2 semaphore(%arg4 : memref<!tpu.dma_semaphore, #tpu.memory_space<semaphore_mem>>) src(%arg3 : memref<32x256xf32, #tpu.memory_space<vmem_shared>>) dst(%dma_wait3A_977 : memref<32x256xf32, #tpu.memory_space<hbm>>)
    %dma_wait3A_978 = arith.constant 0 : i32
    %dma_wait3A_979 = tpu.memref_slice %arg2[%add3A_593, %dma_wait3A_978] : memref<8192x256xf32, #tpu.memory_space<hbm>> -> memref<32x256xf32, #tpu.memory_space<hbm>>
    tpu.wait_dma2 semaphore(%arg4 : memref<!tpu.dma_semaphore, #tpu.memory_space<semaphore_mem>>) src(%arg3 : memref<32x256xf32, #tpu.memory_space<vmem_shared>>) dst(%dma_wait3A_979 : memref<32x256xf32, #tpu.memory_space<hbm>>)
    %dma_wait3A_980 = arith.constant 0 : i32
    %dma_wait3A_981 = tpu.memref_slice %arg2[%add3A_599, %dma_wait3A_980] : memref<8192x256xf32, #tpu.memory_space<hbm>> -> memref<32x256xf32, #tpu.memory_space<hbm>>
    tpu.wait_dma2 semaphore(%arg4 : memref<!tpu.dma_semaphore, #tpu.memory_space<semaphore_mem>>) src(%arg3 : memref<32x256xf32, #tpu.memory_space<vmem_shared>>) dst(%dma_wait3A_981 : memref<32x256xf32, #tpu.memory_space<hbm>>)
    %dma_wait3A_982 = arith.constant 0 : i32
    %dma_wait3A_983 = tpu.memref_slice %arg2[%add3A_605, %dma_wait3A_982] : memref<8192x256xf32, #tpu.memory_space<hbm>> -> memref<32x256xf32, #tpu.memory_space<hbm>>
    tpu.wait_dma2 semaphore(%arg4 : memref<!tpu.dma_semaphore, #tpu.memory_space<semaphore_mem>>) src(%arg3 : memref<32x256xf32, #tpu.memory_space<vmem_shared>>) dst(%dma_wait3A_983 : memref<32x256xf32, #tpu.memory_space<hbm>>)
    %dma_wait3A_984 = arith.constant 0 : i32
    %dma_wait3A_985 = tpu.memref_slice %arg2[%add3A_611, %dma_wait3A_984] : memref<8192x256xf32, #tpu.memory_space<hbm>> -> memref<32x256xf32, #tpu.memory_space<hbm>>
    tpu.wait_dma2 semaphore(%arg4 : memref<!tpu.dma_semaphore, #tpu.memory_space<semaphore_mem>>) src(%arg3 : memref<32x256xf32, #tpu.memory_space<vmem_shared>>) dst(%dma_wait3A_985 : memref<32x256xf32, #tpu.memory_space<hbm>>)
    %dma_wait3A_986 = arith.constant 0 : i32
    %dma_wait3A_987 = tpu.memref_slice %arg2[%add3A_617, %dma_wait3A_986] : memref<8192x256xf32, #tpu.memory_space<hbm>> -> memref<32x256xf32, #tpu.memory_space<hbm>>
    tpu.wait_dma2 semaphore(%arg4 : memref<!tpu.dma_semaphore, #tpu.memory_space<semaphore_mem>>) src(%arg3 : memref<32x256xf32, #tpu.memory_space<vmem_shared>>) dst(%dma_wait3A_987 : memref<32x256xf32, #tpu.memory_space<hbm>>)
    %dma_wait3A_988 = arith.constant 0 : i32
    %dma_wait3A_989 = tpu.memref_slice %arg2[%add3A_623, %dma_wait3A_988] : memref<8192x256xf32, #tpu.memory_space<hbm>> -> memref<32x256xf32, #tpu.memory_space<hbm>>
    tpu.wait_dma2 semaphore(%arg4 : memref<!tpu.dma_semaphore, #tpu.memory_space<semaphore_mem>>) src(%arg3 : memref<32x256xf32, #tpu.memory_space<vmem_shared>>) dst(%dma_wait3A_989 : memref<32x256xf32, #tpu.memory_space<hbm>>)
    %dma_wait3A_990 = arith.constant 0 : i32
    %dma_wait3A_991 = tpu.memref_slice %arg2[%add3A_629, %dma_wait3A_990] : memref<8192x256xf32, #tpu.memory_space<hbm>> -> memref<32x256xf32, #tpu.memory_space<hbm>>
    tpu.wait_dma2 semaphore(%arg4 : memref<!tpu.dma_semaphore, #tpu.memory_space<semaphore_mem>>) src(%arg3 : memref<32x256xf32, #tpu.memory_space<vmem_shared>>) dst(%dma_wait3A_991 : memref<32x256xf32, #tpu.memory_space<hbm>>)
    %dma_wait3A_992 = arith.constant 0 : i32
    %dma_wait3A_993 = tpu.memref_slice %arg2[%add3A_635, %dma_wait3A_992] : memref<8192x256xf32, #tpu.memory_space<hbm>> -> memref<32x256xf32, #tpu.memory_space<hbm>>
    tpu.wait_dma2 semaphore(%arg4 : memref<!tpu.dma_semaphore, #tpu.memory_space<semaphore_mem>>) src(%arg3 : memref<32x256xf32, #tpu.memory_space<vmem_shared>>) dst(%dma_wait3A_993 : memref<32x256xf32, #tpu.memory_space<hbm>>)
    %dma_wait3A_994 = arith.constant 0 : i32
    %dma_wait3A_995 = tpu.memref_slice %arg2[%add3A_641, %dma_wait3A_994] : memref<8192x256xf32, #tpu.memory_space<hbm>> -> memref<32x256xf32, #tpu.memory_space<hbm>>
    tpu.wait_dma2 semaphore(%arg4 : memref<!tpu.dma_semaphore, #tpu.memory_space<semaphore_mem>>) src(%arg3 : memref<32x256xf32, #tpu.memory_space<vmem_shared>>) dst(%dma_wait3A_995 : memref<32x256xf32, #tpu.memory_space<hbm>>)
    %dma_wait3A_996 = arith.constant 0 : i32
    %dma_wait3A_997 = tpu.memref_slice %arg2[%add3A_647, %dma_wait3A_996] : memref<8192x256xf32, #tpu.memory_space<hbm>> -> memref<32x256xf32, #tpu.memory_space<hbm>>
    tpu.wait_dma2 semaphore(%arg4 : memref<!tpu.dma_semaphore, #tpu.memory_space<semaphore_mem>>) src(%arg3 : memref<32x256xf32, #tpu.memory_space<vmem_shared>>) dst(%dma_wait3A_997 : memref<32x256xf32, #tpu.memory_space<hbm>>)
    %dma_wait3A_998 = arith.constant 0 : i32
    %dma_wait3A_999 = tpu.memref_slice %arg2[%add3A_653, %dma_wait3A_998] : memref<8192x256xf32, #tpu.memory_space<hbm>> -> memref<32x256xf32, #tpu.memory_space<hbm>>
    tpu.wait_dma2 semaphore(%arg4 : memref<!tpu.dma_semaphore, #tpu.memory_space<semaphore_mem>>) src(%arg3 : memref<32x256xf32, #tpu.memory_space<vmem_shared>>) dst(%dma_wait3A_999 : memref<32x256xf32, #tpu.memory_space<hbm>>)
    %dma_wait3A_1000 = arith.constant 0 : i32
    %dma_wait3A_1001 = tpu.memref_slice %arg2[%add3A_659, %dma_wait3A_1000] : memref<8192x256xf32, #tpu.memory_space<hbm>> -> memref<32x256xf32, #tpu.memory_space<hbm>>
    tpu.wait_dma2 semaphore(%arg4 : memref<!tpu.dma_semaphore, #tpu.memory_space<semaphore_mem>>) src(%arg3 : memref<32x256xf32, #tpu.memory_space<vmem_shared>>) dst(%dma_wait3A_1001 : memref<32x256xf32, #tpu.memory_space<hbm>>)
    %dma_wait3A_1002 = arith.constant 0 : i32
    %dma_wait3A_1003 = tpu.memref_slice %arg2[%add3A_665, %dma_wait3A_1002] : memref<8192x256xf32, #tpu.memory_space<hbm>> -> memref<32x256xf32, #tpu.memory_space<hbm>>
    tpu.wait_dma2 semaphore(%arg4 : memref<!tpu.dma_semaphore, #tpu.memory_space<semaphore_mem>>) src(%arg3 : memref<32x256xf32, #tpu.memory_space<vmem_shared>>) dst(%dma_wait3A_1003 : memref<32x256xf32, #tpu.memory_space<hbm>>)
    %dma_wait3A_1004 = arith.constant 0 : i32
    %dma_wait3A_1005 = tpu.memref_slice %arg2[%add3A_671, %dma_wait3A_1004] : memref<8192x256xf32, #tpu.memory_space<hbm>> -> memref<32x256xf32, #tpu.memory_space<hbm>>
    tpu.wait_dma2 semaphore(%arg4 : memref<!tpu.dma_semaphore, #tpu.memory_space<semaphore_mem>>) src(%arg3 : memref<32x256xf32, #tpu.memory_space<vmem_shared>>) dst(%dma_wait3A_1005 : memref<32x256xf32, #tpu.memory_space<hbm>>)
    %dma_wait3A_1006 = arith.constant 0 : i32
    %dma_wait3A_1007 = tpu.memref_slice %arg2[%add3A_677, %dma_wait3A_1006] : memref<8192x256xf32, #tpu.memory_space<hbm>> -> memref<32x256xf32, #tpu.memory_space<hbm>>
    tpu.wait_dma2 semaphore(%arg4 : memref<!tpu.dma_semaphore, #tpu.memory_space<semaphore_mem>>) src(%arg3 : memref<32x256xf32, #tpu.memory_space<vmem_shared>>) dst(%dma_wait3A_1007 : memref<32x256xf32, #tpu.memory_space<hbm>>)
    %dma_wait3A_1008 = arith.constant 0 : i32
    %dma_wait3A_1009 = tpu.memref_slice %arg2[%add3A_683, %dma_wait3A_1008] : memref<8192x256xf32, #tpu.memory_space<hbm>> -> memref<32x256xf32, #tpu.memory_space<hbm>>
    tpu.wait_dma2 semaphore(%arg4 : memref<!tpu.dma_semaphore, #tpu.memory_space<semaphore_mem>>) src(%arg3 : memref<32x256xf32, #tpu.memory_space<vmem_shared>>) dst(%dma_wait3A_1009 : memref<32x256xf32, #tpu.memory_space<hbm>>)
    %dma_wait3A_1010 = arith.constant 0 : i32
    %dma_wait3A_1011 = tpu.memref_slice %arg2[%add3A_689, %dma_wait3A_1010] : memref<8192x256xf32, #tpu.memory_space<hbm>> -> memref<32x256xf32, #tpu.memory_space<hbm>>
    tpu.wait_dma2 semaphore(%arg4 : memref<!tpu.dma_semaphore, #tpu.memory_space<semaphore_mem>>) src(%arg3 : memref<32x256xf32, #tpu.memory_space<vmem_shared>>) dst(%dma_wait3A_1011 : memref<32x256xf32, #tpu.memory_space<hbm>>)
    %dma_wait3A_1012 = arith.constant 0 : i32
    %dma_wait3A_1013 = tpu.memref_slice %arg2[%add3A_695, %dma_wait3A_1012] : memref<8192x256xf32, #tpu.memory_space<hbm>> -> memref<32x256xf32, #tpu.memory_space<hbm>>
    tpu.wait_dma2 semaphore(%arg4 : memref<!tpu.dma_semaphore, #tpu.memory_space<semaphore_mem>>) src(%arg3 : memref<32x256xf32, #tpu.memory_space<vmem_shared>>) dst(%dma_wait3A_1013 : memref<32x256xf32, #tpu.memory_space<hbm>>)
    %dma_wait3A_1014 = arith.constant 0 : i32
    %dma_wait3A_1015 = tpu.memref_slice %arg2[%add3A_701, %dma_wait3A_1014] : memref<8192x256xf32, #tpu.memory_space<hbm>> -> memref<32x256xf32, #tpu.memory_space<hbm>>
    tpu.wait_dma2 semaphore(%arg4 : memref<!tpu.dma_semaphore, #tpu.memory_space<semaphore_mem>>) src(%arg3 : memref<32x256xf32, #tpu.memory_space<vmem_shared>>) dst(%dma_wait3A_1015 : memref<32x256xf32, #tpu.memory_space<hbm>>)
    %dma_wait3A_1016 = arith.constant 0 : i32
    %dma_wait3A_1017 = tpu.memref_slice %arg2[%add3A_707, %dma_wait3A_1016] : memref<8192x256xf32, #tpu.memory_space<hbm>> -> memref<32x256xf32, #tpu.memory_space<hbm>>
    tpu.wait_dma2 semaphore(%arg4 : memref<!tpu.dma_semaphore, #tpu.memory_space<semaphore_mem>>) src(%arg3 : memref<32x256xf32, #tpu.memory_space<vmem_shared>>) dst(%dma_wait3A_1017 : memref<32x256xf32, #tpu.memory_space<hbm>>)
    %dma_wait3A_1018 = arith.constant 0 : i32
    %dma_wait3A_1019 = tpu.memref_slice %arg2[%add3A_713, %dma_wait3A_1018] : memref<8192x256xf32, #tpu.memory_space<hbm>> -> memref<32x256xf32, #tpu.memory_space<hbm>>
    tpu.wait_dma2 semaphore(%arg4 : memref<!tpu.dma_semaphore, #tpu.memory_space<semaphore_mem>>) src(%arg3 : memref<32x256xf32, #tpu.memory_space<vmem_shared>>) dst(%dma_wait3A_1019 : memref<32x256xf32, #tpu.memory_space<hbm>>)
    %dma_wait3A_1020 = arith.constant 0 : i32
    %dma_wait3A_1021 = tpu.memref_slice %arg2[%add3A_719, %dma_wait3A_1020] : memref<8192x256xf32, #tpu.memory_space<hbm>> -> memref<32x256xf32, #tpu.memory_space<hbm>>
    tpu.wait_dma2 semaphore(%arg4 : memref<!tpu.dma_semaphore, #tpu.memory_space<semaphore_mem>>) src(%arg3 : memref<32x256xf32, #tpu.memory_space<vmem_shared>>) dst(%dma_wait3A_1021 : memref<32x256xf32, #tpu.memory_space<hbm>>)
    %dma_wait3A_1022 = arith.constant 0 : i32
    %dma_wait3A_1023 = tpu.memref_slice %arg2[%add3A_725, %dma_wait3A_1022] : memref<8192x256xf32, #tpu.memory_space<hbm>> -> memref<32x256xf32, #tpu.memory_space<hbm>>
    tpu.wait_dma2 semaphore(%arg4 : memref<!tpu.dma_semaphore, #tpu.memory_space<semaphore_mem>>) src(%arg3 : memref<32x256xf32, #tpu.memory_space<vmem_shared>>) dst(%dma_wait3A_1023 : memref<32x256xf32, #tpu.memory_space<hbm>>)
    %dma_wait3A_1024 = arith.constant 0 : i32
    %dma_wait3A_1025 = tpu.memref_slice %arg2[%add3A_731, %dma_wait3A_1024] : memref<8192x256xf32, #tpu.memory_space<hbm>> -> memref<32x256xf32, #tpu.memory_space<hbm>>
    tpu.wait_dma2 semaphore(%arg4 : memref<!tpu.dma_semaphore, #tpu.memory_space<semaphore_mem>>) src(%arg3 : memref<32x256xf32, #tpu.memory_space<vmem_shared>>) dst(%dma_wait3A_1025 : memref<32x256xf32, #tpu.memory_space<hbm>>)
    %dma_wait3A_1026 = arith.constant 0 : i32
    %dma_wait3A_1027 = tpu.memref_slice %arg2[%add3A_737, %dma_wait3A_1026] : memref<8192x256xf32, #tpu.memory_space<hbm>> -> memref<32x256xf32, #tpu.memory_space<hbm>>
    tpu.wait_dma2 semaphore(%arg4 : memref<!tpu.dma_semaphore, #tpu.memory_space<semaphore_mem>>) src(%arg3 : memref<32x256xf32, #tpu.memory_space<vmem_shared>>) dst(%dma_wait3A_1027 : memref<32x256xf32, #tpu.memory_space<hbm>>)
    %dma_wait3A_1028 = arith.constant 0 : i32
    %dma_wait3A_1029 = tpu.memref_slice %arg2[%add3A_743, %dma_wait3A_1028] : memref<8192x256xf32, #tpu.memory_space<hbm>> -> memref<32x256xf32, #tpu.memory_space<hbm>>
    tpu.wait_dma2 semaphore(%arg4 : memref<!tpu.dma_semaphore, #tpu.memory_space<semaphore_mem>>) src(%arg3 : memref<32x256xf32, #tpu.memory_space<vmem_shared>>) dst(%dma_wait3A_1029 : memref<32x256xf32, #tpu.memory_space<hbm>>)
    %dma_wait3A_1030 = arith.constant 0 : i32
    %dma_wait3A_1031 = tpu.memref_slice %arg2[%add3A_749, %dma_wait3A_1030] : memref<8192x256xf32, #tpu.memory_space<hbm>> -> memref<32x256xf32, #tpu.memory_space<hbm>>
    tpu.wait_dma2 semaphore(%arg4 : memref<!tpu.dma_semaphore, #tpu.memory_space<semaphore_mem>>) src(%arg3 : memref<32x256xf32, #tpu.memory_space<vmem_shared>>) dst(%dma_wait3A_1031 : memref<32x256xf32, #tpu.memory_space<hbm>>)
    %dma_wait3A_1032 = arith.constant 0 : i32
    %dma_wait3A_1033 = tpu.memref_slice %arg2[%add3A_755, %dma_wait3A_1032] : memref<8192x256xf32, #tpu.memory_space<hbm>> -> memref<32x256xf32, #tpu.memory_space<hbm>>
    tpu.wait_dma2 semaphore(%arg4 : memref<!tpu.dma_semaphore, #tpu.memory_space<semaphore_mem>>) src(%arg3 : memref<32x256xf32, #tpu.memory_space<vmem_shared>>) dst(%dma_wait3A_1033 : memref<32x256xf32, #tpu.memory_space<hbm>>)
    %dma_wait3A_1034 = arith.constant 0 : i32
    %dma_wait3A_1035 = tpu.memref_slice %arg2[%add3A_761, %dma_wait3A_1034] : memref<8192x256xf32, #tpu.memory_space<hbm>> -> memref<32x256xf32, #tpu.memory_space<hbm>>
    tpu.wait_dma2 semaphore(%arg4 : memref<!tpu.dma_semaphore, #tpu.memory_space<semaphore_mem>>) src(%arg3 : memref<32x256xf32, #tpu.memory_space<vmem_shared>>) dst(%dma_wait3A_1035 : memref<32x256xf32, #tpu.memory_space<hbm>>)
    %dma_wait3A_1036 = arith.constant 0 : i32
    %dma_wait3A_1037 = tpu.memref_slice %arg2[%add3A_767, %dma_wait3A_1036] : memref<8192x256xf32, #tpu.memory_space<hbm>> -> memref<32x256xf32, #tpu.memory_space<hbm>>
    tpu.wait_dma2 semaphore(%arg4 : memref<!tpu.dma_semaphore, #tpu.memory_space<semaphore_mem>>) src(%arg3 : memref<32x256xf32, #tpu.memory_space<vmem_shared>>) dst(%dma_wait3A_1037 : memref<32x256xf32, #tpu.memory_space<hbm>>)
    %dma_wait3A_1038 = arith.constant 0 : i32
    %dma_wait3A_1039 = tpu.memref_slice %arg2[%add3A_773, %dma_wait3A_1038] : memref<8192x256xf32, #tpu.memory_space<hbm>> -> memref<32x256xf32, #tpu.memory_space<hbm>>
    tpu.wait_dma2 semaphore(%arg4 : memref<!tpu.dma_semaphore, #tpu.memory_space<semaphore_mem>>) src(%arg3 : memref<32x256xf32, #tpu.memory_space<vmem_shared>>) dst(%dma_wait3A_1039 : memref<32x256xf32, #tpu.memory_space<hbm>>)
    %dma_wait3A_1040 = arith.constant 0 : i32
    %dma_wait3A_1041 = tpu.memref_slice %arg2[%add3A_779, %dma_wait3A_1040] : memref<8192x256xf32, #tpu.memory_space<hbm>> -> memref<32x256xf32, #tpu.memory_space<hbm>>
    tpu.wait_dma2 semaphore(%arg4 : memref<!tpu.dma_semaphore, #tpu.memory_space<semaphore_mem>>) src(%arg3 : memref<32x256xf32, #tpu.memory_space<vmem_shared>>) dst(%dma_wait3A_1041 : memref<32x256xf32, #tpu.memory_space<hbm>>)
    %dma_wait3A_1042 = arith.constant 0 : i32
    %dma_wait3A_1043 = tpu.memref_slice %arg2[%add3A_785, %dma_wait3A_1042] : memref<8192x256xf32, #tpu.memory_space<hbm>> -> memref<32x256xf32, #tpu.memory_space<hbm>>
    tpu.wait_dma2 semaphore(%arg4 : memref<!tpu.dma_semaphore, #tpu.memory_space<semaphore_mem>>) src(%arg3 : memref<32x256xf32, #tpu.memory_space<vmem_shared>>) dst(%dma_wait3A_1043 : memref<32x256xf32, #tpu.memory_space<hbm>>)
    return
  }
}

</mosaic_0001>

<sc_bundles>
// kernel: kernel.3.cloned.1.call-start
scs
__scs_entry_jumppad:
0x0: {  	(pc) =	sbr.rel $0x88, $3  }
0x1: {  	(tag) =	ssettag $0x0;
	lr =	simm.s32 $0x1  }
0x2: {  	[smem:$0x3FA0] =	sst lr;
	_ =	strace $0xD0000000  }
0x3: {  	_ = 	snop  }
0x4: {  	_ = 	snop  }
0x5: {  	_ = 	snop  }
0x6: {  	_ = 	snop  }
0x7: {  	_ = 	snop  }
__scs_overlays_trampoline_lowered:
0x8: {  	[smem:$0x3FAF] =	sst s0  }
0x9: {  	[smem:$0x3FB0] =	sst s1  }
0xa: {  	[smem:$0x3FB1] =	sst s2  }
0xb: {  	[smem:$0x3FB2] =	sst s3  }
0xc: {  	[smem:$0x3FB3] =	sst s4  }
0xd: {  	[smem:$0x3FB4] =	sst s5  }
0xe: {  	[smem:$0x3FB5] =	sst s6  }
0xf: {  	[smem:$0x3FB6] =	sst s7  }
0x10: {  	[smem:$0x3FB7] =	sst s8  }
0x11: {  	[smem:$0x3FB8] =	sst s9;
	s0 =	simm.s32 @!p0 $0x0  }
0x12: {  	s1 =	sld [smem:$0x3F9E];
	s0 =	simm.s32 @p0 $0x1  }
0x13: {  	[smem:$0x3FB9] =	sst s0;
	s0 =	simm.s32 @!p1 $0x0  }
0x14: {  	s2 =	sld [smem:$0x3F9D];
	s0 =	simm.s32 @p1 $0x1  }
0x15: {  	[smem:$0x3FBA] =	sst s0;
	s0 =	simm.s32 @!p2 $0x0  }
0x16: {  	s3 =	sld [smem:$0x3FDB];
	s0 =	simm.s32 @p2 $0x1  }
0x17: {  	s4 =	simm.s32 $0x1BF5;
	[smem:$0x3FBC] =	sst s0  }
0x18: {  	s0 =	sld [smem:$0x3F9F];
	_ =	swait.ge [sflag:s4], $0x0  }
0x19: {  	s7 =	sld [smem:$0x3FA0]  }
0x1a: {  	s8 =	sadd.s32 $0xFFFFE003, lr  }
0x1b: {  	s9 =	sadd.s32 $0xFFFFFEF7, lr;
	s5 =	simm.s32 $0xFFFFFFFF;
	p2 =	slt.u32 s8, $0xFFFFF086  }
0x1c: {  	p1 =	slt.u32 s9, $0xF7A;
	s5 =	simm.s32 @!p2 $0x0  }
0x1d: {  	s5 =	simm.s32 @p1 $0x1;
	p0 =	seq.s32 s7, s2  }
0x1e: {  	s7 =	smul.u32 @!p0 $0xF7A, s2;
	p2 =	seq.s32 @!p0 s5, $0x0  }
0x1f: {  	s9 =	smul.u32 $0xF7A, s1;
	s8 =	simm.s32 @!p0 $0x1BF5;
	p2 =	por !p2, p0  }
0x20: {  	[sflag:s8] =	ssyncset.s32 @!p0 $0xFFFFF086;
	s6 =	sadd.s32 @!p0 s3, s7;
	s7 =	simm.s32 @!p0 $0x108  }
0x21: {  	s3 =	sadd.s32 s3, s9;
	s6 =	sadd.s32 @!p0 $0x88, s6;
	s7 =	simm.s32 @p2 $0x1082  }
0x22: {  	[simem:s7], [sflag:s8] =	dma.local @!p0 [hbm:s6], $0xF7A  }
0x23: {  	s9 =	sor.u32 $0xD0000000, s2;
	s6 =	simm.s32 $0x108;
	_ =	swait.ge @!p0 [sflag:s8], $0x0  }
0x24: {  	s3 =	sadd.s32 $0x88, s3;
	s6 =	simm.s32 @!p1 $0x1082;
	[sflag:s4] =	ssyncset.s32 $0xFFFFF086  }
0x25: {  	[simem:s6], [sflag:s4] =	dma.local [hbm:s3], $0xF7A  }
0x26: {  	[smem:$0x3FA0] =	sst s1;
	(tag) =	ssettag s2;
	_ =	strace s9  }
0x27: {  	s1 =	sld [smem:$0x3FB0]  }
0x28: {  	s2 =	sld [smem:$0x3FB1]  }
0x29: {  	s4 =	sld [smem:$0x3FB3]  }
0x2a: {  	p0 =	seq.s32 s5, $0x0;
	s5 =	sld [smem:$0x3FB4]  }
0x2b: {  	s6 =	sld [smem:$0x3FB5]  }
0x2c: {  	s7 =	sld [smem:$0x3FB6]  }
0x2d: {  	s3 =	simm.s32 $0x108;
	s8 =	sld [smem:$0x3FB7]  }
0x2e: {  	s3 =	simm.s32 @!p0 $0x1082;
	s9 =	sld [smem:$0x3FB8]  }
0x2f: {  	lr =	sadd.s32 s0, s3;
	s0 =	sld [smem:$0x3FAF]  }
0x30: {  	s3 =	sld [smem:$0x3FB2]  }
0x31: {  	[smem:$0x3FBB] =	sst s10  }
0x32: {  	s10 =	sld [smem:$0x3FB9];
	_ =	sdelay $0x3  }
0x33: {  	p0 =	seq.s32 s10, $0x1;
	s10 =	sld [smem:$0x3FBB];
	_ =	sdelay $0x3  }
0x34: {  	[smem:$0x3FBB] =	sst s10  }
0x35: {  	s10 =	sld [smem:$0x3FBA];
	_ =	sdelay $0x3  }
0x36: {  	p1 =	seq.s32 s10, $0x1;
	s10 =	sld [smem:$0x3FBB];
	_ =	sdelay $0x3  }
0x37: {  	[smem:$0x3FBB] =	sst s10  }
0x38: {  	s10 =	sld [smem:$0x3FBC]  }
0x39: {  	_ = 	snop;
	(pc) =	sbr.ind lr, $3  }
0x3a: {  	_ = 	snop  }
0x3b: {  	_ = 	snop  }
0x3c: {  	p2 =	seq.s32 s10, $0x1;
	s10 =	sld [smem:$0x3FBB]  }
0x3d: {  	_ =	shalt  }
0x3e: {  	_ =	shalt  }
0x3f: {  	_ =	shalt  }
0x40: {  	_ =	shalt  }
0x41: {  	_ =	shalt  }
0x42: {  	_ =	shalt  }
0x43: {  	_ =	shalt  }
0x44: {  	_ =	shalt  }
0x45: {  	_ =	shalt  }
0x46: {  	_ =	shalt  }
0x47: {  	_ =	shalt  }
0x48: {  	_ =	shalt  }
0x49: {  	_ =	shalt  }
0x4a: {  	_ =	shalt  }
0x4b: {  	_ =	shalt  }
0x4c: {  	_ =	shalt  }
0x4d: {  	_ =	shalt  }
0x4e: {  	_ =	shalt  }
0x4f: {  	_ =	shalt  }
0x50: {  	_ =	shalt  }
0x51: {  	_ =	shalt  }
0x52: {  	_ =	shalt  }
0x53: {  	_ =	shalt  }
0x54: {  	_ =	shalt  }
0x55: {  	_ =	shalt  }
0x56: {  	_ =	shalt  }
0x57: {  	_ =	shalt  }
0x58: {  	_ =	shalt  }
0x59: {  	_ =	shalt  }
0x5a: {  	_ =	shalt  }
0x5b: {  	_ =	shalt  }
0x5c: {  	_ =	shalt  }
0x5d: {  	_ =	shalt  }
0x5e: {  	_ =	shalt  }
0x5f: {  	_ =	shalt  }
0x60: {  	_ =	shalt  }
0x61: {  	_ =	shalt  }
0x62: {  	_ =	shalt  }
0x63: {  	_ =	shalt  }
0x64: {  	_ =	shalt  }
0x65: {  	_ =	shalt  }
0x66: {  	_ =	shalt  }
0x67: {  	_ =	shalt  }
0x68: {  	_ =	shalt  }
0x69: {  	_ =	shalt  }
0x6a: {  	_ =	shalt  }
0x6b: {  	_ =	shalt  }
0x6c: {  	_ =	shalt  }
0x6d: {  	_ =	shalt  }
0x6e: {  	_ =	shalt  }
0x6f: {  	_ =	shalt  }
0x70: {  	_ =	shalt  }
0x71: {  	_ =	shalt  }
0x72: {  	_ =	shalt  }
0x73: {  	_ =	shalt  }
0x74: {  	_ =	shalt  }
0x75: {  	_ =	shalt  }
0x76: {  	_ =	shalt  }
0x77: {  	_ =	shalt  }
0x78: {  	_ =	shalt  }
0x79: {  	_ =	shalt  }
0x7a: {  	_ =	shalt  }
0x7b: {  	_ =	shalt  }
0x7c: {  	_ =	shalt  }
0x7d: {  	_ =	shalt  }
0x7e: {  	_ =	shalt  }
0x7f: {  	_ =	shalt  }
0x80: {  	_ =	shalt  }
0x81: {  	_ =	shalt  }
0x82: {  	_ =	shalt  }
0x83: {  	_ =	shalt  }
0x84: {  	_ =	shalt  }
0x85: {  	_ =	shalt  }
0x86: {  	_ =	shalt  }
0x87: {  	_ =	shalt  }
.Lfunc_end0:
.L_simem_size_0:
called_computation_lowered:
.L_overlay_start_0:
0x88: {  	s2 =	sld [smem:$0x3FD9]  }
0x89: {  	s3 =	sld [smem:$0x3FFE];
	_ =	sdelay $0x1  }
0x8a: {  	s1 =	srdreg.scid  }
0x8b: {  	s0 =	sand.u32 $0x1, s1  }
0x8c: {  	s22 =	sshll.u32 s0, $0xA;
	s2 =	sadd.s32 s3, s2  }
0x8d: {  	s2 =	sadd.s32 s2, s22  }
0x8e: {  	s3 =	simm.s32 $0x0;
	[smem:$0x3FC7] =	sst s2  }
0x8f: {  	[smem:$0xF] =	sst s3  }
0x90: {  	s4 =	sld [smem:$0x3FC9]  }
0x91: {  	s5 =	sld [smem:$0x3FD0];
	(tm) =	ssettm $0x1  }
0x92: {  	s23 =	sld [smem:$0x3FFB];
	_ =	sdelay $0x3  }
0x93: {  	_ =	strace s23  }
0x94: {  	s2 =	sld [smem:$0x3FFC];
	_ =	sdelay $0x3  }
0x95: {  	_ =	strace s2  }
0x96: {  	s2 =	sld [smem:$0x3FFD];
	_ =	sdelay $0x3  }
0x97: {  	_ =	strace s2  }
0x98: {  	s24 =	simm.s32 $0x1B8B;
	_ =	strace $0x8FFFFFFF  }
0x99: {  	_ =	swait.ge [sflag:s24], $0x1  }
0x9a: {  	[sflag:s24] =	ssyncset.done $0x0  }
0x9b: {  	s25 =	simm.s32 $0x1B8E;
	[sflag:s24] =	ssyncadd.s32 $0xFFFFFFFF  }
0x9c: {  	s6 =	simm.s32 $0x100;
	s26 =	simm.s32 $0x200;
	[smem:$0x3FD2] =	sst s25  }
0x9d: {  	s28 =	simm.s32 $0x300;
	s2 =	simm.s32 $0x9;
	_ =	strace $0x80000046  }
0x9e: {  	[spmem:s3], [sflag:s2] =	dma.local [hbm:s4], $0x100  }
0x9f: {  	[spmem:s6], [sflag:s2] =	dma.local [hbm:s4], $0x100  }
0xa0: {  	[spmem:s26], [sflag:s2] =	dma.local [hbm:s4], $0x100  }
0xa1: {  	[spmem:s28], [sflag:s2] =	dma.local [hbm:s4], $0x100  }
0xa2: {  	_ =	swait.ge [sflag:s2], $0x100  }
0xa3: {  	[sflag:s2] =	ssyncset.done $0x0  }
0xa4: {  	[sflag:s2] =	ssyncadd.s32 $0xFFFFFF00;
	_ =	sdelay $0x2  }
0xa5: {  	s29 =	sshll.u32 s0, $0x11;
	_ =	swait.ge [sflag:s2], $0x100  }
0xa6: {  	s4 =	sadd.s32 s29, s5;
	[sflag:s2] =	ssyncset.done $0x0  }
0xa7: {  	s5 =	sadd.s32 $0x400, s4;
	[sflag:s2] =	ssyncadd.s32 $0xFFFFFF00  }
0xa8: {  	s30 =	sadd.s32 $0x800, s4;
	s31 =	sadd.s32 $0xC00, s4;
	s6 =	sadd.s32 $0x1000, s4  }
0xa9: {  	s7 =	sadd.s32 $0x1400, s4;
	s8 =	sadd.s32 $0x1800, s4;
	s9 =	sadd.s32 $0x1C00, s4  }
0xaa: {  	s10 =	sadd.s32 $0x2000, s4;
	s11 =	sadd.s32 $0x2400, s4;
	_ =	swait.ge [sflag:s2], $0x100  }
0xab: {  	s12 =	sadd.s32 $0x2800, s4;
	s13 =	sadd.s32 $0x2C00, s4;
	[sflag:s2] =	ssyncset.done $0x0  }
0xac: {  	s14 =	sadd.s32 $0x3000, s4;
	s15 =	sadd.s32 $0x3400, s4;
	[sflag:s2] =	ssyncadd.s32 $0xFFFFFF00  }
0xad: {  	s16 =	sadd.s32 $0x3800, s4;
	s17 =	sadd.s32 $0x3C00, s4;
	s18 =	sadd.s32 $0x4000, s4  }
0xae: {  	s19 =	sadd.s32 $0x4400, s4;
	s20 =	sadd.s32 $0x4800, s4;
	s21 =	sadd.s32 $0x4C00, s4  }
0xaf: {  	s22 =	sadd.s32 $0x5000, s4;
	s23 =	sadd.s32 $0x5400, s4;
	_ =	swait.ge [sflag:s2], $0x100  }
0xb0: {  	s24 =	sadd.s32 $0x5800, s4;
	s25 =	sadd.s32 $0x5C00, s4;
	[sflag:s2] =	ssyncset.done $0x0  }
0xb1: {  	s26 =	sadd.s32 $0x6000, s4;
	s28 =	sadd.s32 $0x6400, s4;
	[sflag:s2] =	ssyncadd.s32 $0xFFFFFF00  }
0xb2: {  	[hbm:s4], [sflag:s2] =	dma.local [spmem:s3], $0x400  }
0xb3: {  	[hbm:s5], [sflag:s2] =	dma.local [spmem:s3], $0x400  }
0xb4: {  	[hbm:s30], [sflag:s2] =	dma.local [spmem:s3], $0x400  }
0xb5: {  	[hbm:s31], [sflag:s2] =	dma.local [spmem:s3], $0x400  }
0xb6: {  	s29 =	sadd.s32 $0x6800, s4;
	s30 =	sadd.s32 $0x6C00, s4;
	s31 =	sadd.s32 $0x7000, s4  }
0xb7: {  	[hbm:s6], [sflag:s2] =	dma.local [spmem:s3], $0x400  }
0xb8: {  	[hbm:s7], [sflag:s2] =	dma.local [spmem:s3], $0x400  }
0xb9: {  	[hbm:s8], [sflag:s2] =	dma.local [spmem:s3], $0x400  }
0xba: {  	s6 =	sadd.s32 $0x7400, s4;
	s7 =	sadd.s32 $0x7800, s4;
	s8 =	sadd.s32 $0x7C00, s4  }
0xbb: {  	[hbm:s9], [sflag:s2] =	dma.local [spmem:s3], $0x400  }
0xbc: {  	[hbm:s10], [sflag:s2] =	dma.local [spmem:s3], $0x400  }
0xbd: {  	[hbm:s11], [sflag:s2] =	dma.local [spmem:s3], $0x400  }
0xbe: {  	s9 =	sadd.s32 $0x8000, s4;
	s10 =	sadd.s32 $0x8400, s4;
	s11 =	sadd.s32 $0x8800, s4  }
0xbf: {  	[hbm:s12], [sflag:s2] =	dma.local [spmem:s3], $0x400  }
0xc0: {  	[hbm:s13], [sflag:s2] =	dma.local [spmem:s3], $0x400  }
0xc1: {  	[hbm:s14], [sflag:s2] =	dma.local [spmem:s3], $0x400  }
0xc2: {  	s12 =	sadd.s32 $0x8C00, s4;
	s13 =	sadd.s32 $0x9000, s4;
	s14 =	sadd.s32 $0x9400, s4  }
0xc3: {  	[hbm:s15], [sflag:s2] =	dma.local [spmem:s3], $0x400  }
0xc4: {  	[hbm:s16], [sflag:s2] =	dma.local [spmem:s3], $0x400  }
0xc5: {  	[hbm:s17], [sflag:s2] =	dma.local [spmem:s3], $0x400  }
0xc6: {  	s15 =	sadd.s32 $0x9800, s4;
	s16 =	sadd.s32 $0x9C00, s4;
	s17 =	sadd.s32 $0xA000, s4  }
0xc7: {  	[hbm:s18], [sflag:s2] =	dma.local [spmem:s3], $0x400  }
0xc8: {  	[hbm:s19], [sflag:s2] =	dma.local [spmem:s3], $0x400  }
0xc9: {  	[hbm:s20], [sflag:s2] =	dma.local [spmem:s3], $0x400  }
0xca: {  	s18 =	sadd.s32 $0xA400, s4;
	s19 =	sadd.s32 $0xA800, s4;
	s20 =	sadd.s32 $0xAC00, s4  }
0xcb: {  	[hbm:s21], [sflag:s2] =	dma.local [spmem:s3], $0x400  }
0xcc: {  	[hbm:s22], [sflag:s2] =	dma.local [spmem:s3], $0x400  }
0xcd: {  	[hbm:s23], [sflag:s2] =	dma.local [spmem:s3], $0x400  }
0xce: {  	s21 =	sadd.s32 $0xB000, s4;
	s22 =	sadd.s32 $0xB400, s4;
	s23 =	sadd.s32 $0xB800, s4  }
0xcf: {  	[hbm:s24], [sflag:s2] =	dma.local [spmem:s3], $0x400  }
0xd0: {  	[hbm:s25], [sflag:s2] =	dma.local [spmem:s3], $0x400  }
0xd1: {  	[hbm:s26], [sflag:s2] =	dma.local [spmem:s3], $0x400  }
0xd2: {  	s24 =	sadd.s32 $0xBC00, s4;
	s25 =	sadd.s32 $0xC000, s4;
	s26 =	sadd.s32 $0xC400, s4  }
0xd3: {  	[hbm:s28], [sflag:s2] =	dma.local [spmem:s3], $0x400  }
0xd4: {  	[hbm:s29], [sflag:s2] =	dma.local [spmem:s3], $0x400  }
0xd5: {  	[hbm:s30], [sflag:s2] =	dma.local [spmem:s3], $0x400  }
0xd6: {  	s28 =	sadd.s32 $0xC800, s4;
	s29 =	sadd.s32 $0xCC00, s4;
	s30 =	sadd.s32 $0xD000, s4  }
0xd7: {  	[hbm:s31], [sflag:s2] =	dma.local [spmem:s3], $0x400  }
0xd8: {  	[hbm:s6], [sflag:s2] =	dma.local [spmem:s3], $0x400  }
0xd9: {  	[hbm:s7], [sflag:s2] =	dma.local [spmem:s3], $0x400  }
0xda: {  	s31 =	sadd.s32 $0xD400, s4;
	s6 =	sadd.s32 $0xD800, s4;
	s7 =	sadd.s32 $0xDC00, s4  }
0xdb: {  	[hbm:s8], [sflag:s2] =	dma.local [spmem:s3], $0x400  }
0xdc: {  	[hbm:s9], [sflag:s2] =	dma.local [spmem:s3], $0x400  }
0xdd: {  	[hbm:s10], [sflag:s2] =	dma.local [spmem:s3], $0x400  }
0xde: {  	s8 =	sadd.s32 $0xE000, s4;
	s9 =	sadd.s32 $0xE400, s4;
	s10 =	sadd.s32 $0xE800, s4  }
0xdf: {  	[hbm:s11], [sflag:s2] =	dma.local [spmem:s3], $0x400  }
0xe0: {  	[hbm:s12], [sflag:s2] =	dma.local [spmem:s3], $0x400  }
0xe1: {  	[hbm:s13], [sflag:s2] =	dma.local [spmem:s3], $0x400  }
0xe2: {  	s11 =	sadd.s32 $0xEC00, s4;
	s12 =	sadd.s32 $0xF000, s4;
	s13 =	sadd.s32 $0xF400, s4  }
0xe3: {  	[hbm:s14], [sflag:s2] =	dma.local [spmem:s3], $0x400  }
0xe4: {  	[hbm:s15], [sflag:s2] =	dma.local [spmem:s3], $0x400  }
0xe5: {  	[hbm:s16], [sflag:s2] =	dma.local [spmem:s3], $0x400  }
0xe6: {  	s14 =	sadd.s32 $0xF800, s4;
	s15 =	sadd.s32 $0xFC00, s4;
	s16 =	sadd.s32 $0x10000, s4  }
0xe7: {  	[hbm:s17], [sflag:s2] =	dma.local [spmem:s3], $0x400  }
0xe8: {  	[hbm:s18], [sflag:s2] =	dma.local [spmem:s3], $0x400  }
0xe9: {  	[hbm:s19], [sflag:s2] =	dma.local [spmem:s3], $0x400  }
0xea: {  	s17 =	sadd.s32 $0x10400, s4;
	s18 =	sadd.s32 $0x10800, s4;
	s19 =	sadd.s32 $0x10C00, s4  }
0xeb: {  	[hbm:s20], [sflag:s2] =	dma.local [spmem:s3], $0x400  }
0xec: {  	[hbm:s21], [sflag:s2] =	dma.local [spmem:s3], $0x400  }
0xed: {  	[hbm:s22], [sflag:s2] =	dma.local [spmem:s3], $0x400  }
0xee: {  	s20 =	sadd.s32 $0x11000, s4;
	s21 =	sadd.s32 $0x11400, s4;
	s22 =	sadd.s32 $0x11800, s4  }
0xef: {  	[hbm:s23], [sflag:s2] =	dma.local [spmem:s3], $0x400  }
0xf0: {  	[hbm:s24], [sflag:s2] =	dma.local [spmem:s3], $0x400  }
0xf1: {  	[hbm:s25], [sflag:s2] =	dma.local [spmem:s3], $0x400  }
0xf2: {  	s23 =	sadd.s32 $0x11C00, s4;
	s24 =	sadd.s32 $0x12000, s4;
	s25 =	sadd.s32 $0x12400, s4  }
0xf3: {  	[hbm:s26], [sflag:s2] =	dma.local [spmem:s3], $0x400  }
0xf4: {  	[hbm:s28], [sflag:s2] =	dma.local [spmem:s3], $0x400  }
0xf5: {  	[hbm:s29], [sflag:s2] =	dma.local [spmem:s3], $0x400  }
0xf6: {  	s26 =	sadd.s32 $0x12800, s4;
	s28 =	sadd.s32 $0x12C00, s4;
	s29 =	sadd.s32 $0x13000, s4  }
0xf7: {  	[hbm:s30], [sflag:s2] =	dma.local [spmem:s3], $0x400  }
0xf8: {  	[hbm:s31], [sflag:s2] =	dma.local [spmem:s3], $0x400  }
0xf9: {  	[hbm:s6], [sflag:s2] =	dma.local [spmem:s3], $0x400  }
0xfa: {  	s30 =	sadd.s32 $0x13400, s4;
	s31 =	sadd.s32 $0x13800, s4;
	s6 =	sadd.s32 $0x13C00, s4  }
0xfb: {  	[hbm:s7], [sflag:s2] =	dma.local [spmem:s3], $0x400  }
0xfc: {  	[hbm:s8], [sflag:s2] =	dma.local [spmem:s3], $0x400  }
0xfd: {  	[hbm:s9], [sflag:s2] =	dma.local [spmem:s3], $0x400  }
0xfe: {  	s7 =	sadd.s32 $0x14000, s4;
	s8 =	sadd.s32 $0x14400, s4;
	s9 =	sadd.s32 $0x14800, s4  }
0xff: {  	[hbm:s10], [sflag:s2] =	dma.local [spmem:s3], $0x400  }
0x100: {  	[hbm:s11], [sflag:s2] =	dma.local [spmem:s3], $0x400  }
0x101: {  	[hbm:s12], [sflag:s2] =	dma.local [spmem:s3], $0x400  }
0x102: {  	s10 =	sadd.s32 $0x14C00, s4;
	s11 =	sadd.s32 $0x15000, s4;
	s12 =	sadd.s32 $0x15400, s4  }
0x103: {  	[hbm:s13], [sflag:s2] =	dma.local [spmem:s3], $0x400  }
0x104: {  	[hbm:s14], [sflag:s2] =	dma.local [spmem:s3], $0x400  }
0x105: {  	[hbm:s15], [sflag:s2] =	dma.local [spmem:s3], $0x400  }
0x106: {  	s13 =	sadd.s32 $0x15800, s4;
	s14 =	sadd.s32 $0x15C00, s4;
	s15 =	sadd.s32 $0x16000, s4  }
0x107: {  	[hbm:s16], [sflag:s2] =	dma.local [spmem:s3], $0x400  }
0x108: {  	[hbm:s17], [sflag:s2] =	dma.local [spmem:s3], $0x400  }
0x109: {  	[hbm:s18], [sflag:s2] =	dma.local [spmem:s3], $0x400  }
0x10a: {  	s16 =	sadd.s32 $0x16400, s4;
	s17 =	sadd.s32 $0x16800, s4;
	s18 =	sadd.s32 $0x16C00, s4  }
0x10b: {  	[hbm:s19], [sflag:s2] =	dma.local [spmem:s3], $0x400  }
0x10c: {  	[hbm:s20], [sflag:s2] =	dma.local [spmem:s3], $0x400  }
0x10d: {  	[hbm:s21], [sflag:s2] =	dma.local [spmem:s3], $0x400  }
0x10e: {  	s19 =	sadd.s32 $0x17000, s4;
	s20 =	sadd.s32 $0x17400, s4;
	s21 =	sadd.s32 $0x17800, s4  }
0x10f: {  	[hbm:s22], [sflag:s2] =	dma.local [spmem:s3], $0x400  }
0x110: {  	[hbm:s23], [sflag:s2] =	dma.local [spmem:s3], $0x400  }
0x111: {  	[hbm:s24], [sflag:s2] =	dma.local [spmem:s3], $0x400  }
0x112: {  	s22 =	sadd.s32 $0x17C00, s4;
	s23 =	sadd.s32 $0x18000, s4;
	s24 =	sadd.s32 $0x18400, s4  }
0x113: {  	[hbm:s25], [sflag:s2] =	dma.local [spmem:s3], $0x400  }
0x114: {  	[hbm:s26], [sflag:s2] =	dma.local [spmem:s3], $0x400  }
0x115: {  	[hbm:s28], [sflag:s2] =	dma.local [spmem:s3], $0x400  }
0x116: {  	s25 =	sadd.s32 $0x18800, s4;
	s26 =	sadd.s32 $0x18C00, s4;
	s28 =	sadd.s32 $0x19000, s4  }
0x117: {  	[hbm:s29], [sflag:s2] =	dma.local [spmem:s3], $0x400  }
0x118: {  	[hbm:s30], [sflag:s2] =	dma.local [spmem:s3], $0x400  }
0x119: {  	[hbm:s31], [sflag:s2] =	dma.local [spmem:s3], $0x400  }
0x11a: {  	s29 =	sadd.s32 $0x19400, s4;
	s30 =	sadd.s32 $0x19800, s4;
	s31 =	sadd.s32 $0x19C00, s4  }
0x11b: {  	[hbm:s6], [sflag:s2] =	dma.local [spmem:s3], $0x400  }
0x11c: {  	[hbm:s7], [sflag:s2] =	dma.local [spmem:s3], $0x400  }
0x11d: {  	[hbm:s8], [sflag:s2] =	dma.local [spmem:s3], $0x400  }
0x11e: {  	s6 =	sadd.s32 $0x1A000, s4;
	s7 =	sadd.s32 $0x1A400, s4;
	s8 =	sadd.s32 $0x1A800, s4  }
0x11f: {  	[hbm:s9], [sflag:s2] =	dma.local [spmem:s3], $0x400  }
0x120: {  	[hbm:s10], [sflag:s2] =	dma.local [spmem:s3], $0x400  }
0x121: {  	[hbm:s11], [sflag:s2] =	dma.local [spmem:s3], $0x400  }
0x122: {  	s9 =	sadd.s32 $0x1AC00, s4;
	s10 =	sadd.s32 $0x1B000, s4;
	s11 =	sadd.s32 $0x1B400, s4  }
0x123: {  	[hbm:s12], [sflag:s2] =	dma.local [spmem:s3], $0x400  }
0x124: {  	[hbm:s13], [sflag:s2] =	dma.local [spmem:s3], $0x400  }
0x125: {  	[hbm:s14], [sflag:s2] =	dma.local [spmem:s3], $0x400  }
0x126: {  	s12 =	sadd.s32 $0x1B800, s4;
	s13 =	sadd.s32 $0x1BC00, s4;
	s14 =	sadd.s32 $0x1C000, s4  }
0x127: {  	[hbm:s15], [sflag:s2] =	dma.local [spmem:s3], $0x400  }
0x128: {  	[hbm:s16], [sflag:s2] =	dma.local [spmem:s3], $0x400  }
0x129: {  	[hbm:s17], [sflag:s2] =	dma.local [spmem:s3], $0x400  }
0x12a: {  	s15 =	sadd.s32 $0x1C400, s4;
	s16 =	sadd.s32 $0x1C800, s4;
	s17 =	sadd.s32 $0x1CC00, s4  }
0x12b: {  	[hbm:s18], [sflag:s2] =	dma.local [spmem:s3], $0x400  }
0x12c: {  	[hbm:s19], [sflag:s2] =	dma.local [spmem:s3], $0x400  }
0x12d: {  	[hbm:s20], [sflag:s2] =	dma.local [spmem:s3], $0x400  }
0x12e: {  	s18 =	sadd.s32 $0x1D000, s4;
	s19 =	sadd.s32 $0x1D400, s4;
	s20 =	sadd.s32 $0x1D800, s4  }
0x12f: {  	[hbm:s21], [sflag:s2] =	dma.local [spmem:s3], $0x400  }
0x130: {  	[hbm:s22], [sflag:s2] =	dma.local [spmem:s3], $0x400  }
0x131: {  	[hbm:s23], [sflag:s2] =	dma.local [spmem:s3], $0x400  }
0x132: {  	s21 =	sadd.s32 $0x1DC00, s4;
	s22 =	sadd.s32 $0x1E000, s4;
	s23 =	sadd.s32 $0x1E400, s4  }
0x133: {  	[hbm:s24], [sflag:s2] =	dma.local [spmem:s3], $0x400  }
0x134: {  	[hbm:s25], [sflag:s2] =	dma.local [spmem:s3], $0x400  }
0x135: {  	[hbm:s26], [sflag:s2] =	dma.local [spmem:s3], $0x400  }
0x136: {  	s24 =	sadd.s32 $0x1E800, s4;
	s25 =	sadd.s32 $0x1EC00, s4;
	s26 =	sadd.s32 $0x1F000, s4  }
0x137: {  	[hbm:s28], [sflag:s2] =	dma.local [spmem:s3], $0x400  }
0x138: {  	[hbm:s29], [sflag:s2] =	dma.local [spmem:s3], $0x400  }
0x139: {  	s28 =	sadd.s32 $0x1F400, s4;
	s29 =	sadd.s32 $0x1F800, s4;
	s4 =	sadd.s32 $0x1FC00, s4  }
0x13a: {  	[hbm:s30], [sflag:s2] =	dma.local [spmem:s3], $0x400  }
0x13b: {  	[hbm:s31], [sflag:s2] =	dma.local [spmem:s3], $0x400  }
0x13c: {  	[hbm:s6], [sflag:s2] =	dma.local [spmem:s3], $0x400  }
0x13d: {  	[hbm:s7], [sflag:s2] =	dma.local [spmem:s3], $0x400  }
0x13e: {  	[hbm:s8], [sflag:s2] =	dma.local [spmem:s3], $0x400  }
0x13f: {  	[hbm:s9], [sflag:s2] =	dma.local [spmem:s3], $0x400  }
0x140: {  	[hbm:s10], [sflag:s2] =	dma.local [spmem:s3], $0x400  }
0x141: {  	[hbm:s11], [sflag:s2] =	dma.local [spmem:s3], $0x400  }
0x142: {  	[hbm:s12], [sflag:s2] =	dma.local [spmem:s3], $0x400  }
0x143: {  	[hbm:s13], [sflag:s2] =	dma.local [spmem:s3], $0x400  }
0x144: {  	[hbm:s14], [sflag:s2] =	dma.local [spmem:s3], $0x400  }
0x145: {  	[hbm:s15], [sflag:s2] =	dma.local [spmem:s3], $0x400  }
0x146: {  	[hbm:s16], [sflag:s2] =	dma.local [spmem:s3], $0x400  }
0x147: {  	[hbm:s17], [sflag:s2] =	dma.local [spmem:s3], $0x400  }
0x148: {  	[hbm:s18], [sflag:s2] =	dma.local [spmem:s3], $0x400  }
0x149: {  	[hbm:s19], [sflag:s2] =	dma.local [spmem:s3], $0x400  }
0x14a: {  	[hbm:s20], [sflag:s2] =	dma.local [spmem:s3], $0x400  }
0x14b: {  	[hbm:s21], [sflag:s2] =	dma.local [spmem:s3], $0x400  }
0x14c: {  	[hbm:s22], [sflag:s2] =	dma.local [spmem:s3], $0x400  }
0x14d: {  	[hbm:s23], [sflag:s2] =	dma.local [spmem:s3], $0x400  }
0x14e: {  	[hbm:s24], [sflag:s2] =	dma.local [spmem:s3], $0x400  }
0x14f: {  	[hbm:s25], [sflag:s2] =	dma.local [spmem:s3], $0x400  }
0x150: {  	[hbm:s26], [sflag:s2] =	dma.local [spmem:s3], $0x400  }
0x151: {  	[hbm:s28], [sflag:s2] =	dma.local [spmem:s3], $0x400  }
0x152: {  	[hbm:s29], [sflag:s2] =	dma.local [spmem:s3], $0x400  }
0x153: {  	[hbm:s4], [sflag:s2] =	dma.local [spmem:s3], $0x400  }
0x154: {  	_ =	swait.ge [sflag:s2], $0x400  }
0x155: {  	[sflag:s2] =	ssyncset.done $0x0  }
0x156: {  	[sflag:s2] =	ssyncadd.s32 $0xFFFFFC00;
	_ =	sdelay $0x2  }
0x157: {  	_ =	swait.ge [sflag:s2], $0x400  }
0x158: {  	[sflag:s2] =	ssyncset.done $0x0  }
0x159: {  	[sflag:s2] =	ssyncadd.s32 $0xFFFFFC00;
	_ =	sdelay $0x2  }
0x15a: {  	_ =	swait.ge [sflag:s2], $0x400  }
0x15b: {  	[sflag:s2] =	ssyncset.done $0x0  }
0x15c: {  	[sflag:s2] =	ssyncadd.s32 $0xFFFFFC00;
	_ =	sdelay $0x2  }
0x15d: {  	_ =	swait.ge [sflag:s2], $0x400  }
0x15e: {  	[sflag:s2] =	ssyncset.done $0x0  }
0x15f: {  	[sflag:s2] =	ssyncadd.s32 $0xFFFFFC00;
	_ =	sdelay $0x2  }
0x160: {  	_ =	swait.ge [sflag:s2], $0x400  }
0x161: {  	[sflag:s2] =	ssyncset.done $0x0  }
0x162: {  	[sflag:s2] =	ssyncadd.s32 $0xFFFFFC00;
	_ =	sdelay $0x2  }
0x163: {  	_ =	swait.ge [sflag:s2], $0x400  }
0x164: {  	[sflag:s2] =	ssyncset.done $0x0  }
0x165: {  	[sflag:s2] =	ssyncadd.s32 $0xFFFFFC00;
	_ =	sdelay $0x2  }
0x166: {  	_ =	swait.ge [sflag:s2], $0x400  }
0x167: {  	[sflag:s2] =	ssyncset.done $0x0  }
0x168: {  	[sflag:s2] =	ssyncadd.s32 $0xFFFFFC00;
	_ =	sdelay $0x2  }
0x169: {  	_ =	swait.ge [sflag:s2], $0x400  }
0x16a: {  	[sflag:s2] =	ssyncset.done $0x0  }
0x16b: {  	[sflag:s2] =	ssyncadd.s32 $0xFFFFFC00;
	_ =	sdelay $0x2  }
0x16c: {  	_ =	swait.ge [sflag:s2], $0x400  }
0x16d: {  	[sflag:s2] =	ssyncset.done $0x0  }
0x16e: {  	[sflag:s2] =	ssyncadd.s32 $0xFFFFFC00;
	_ =	sdelay $0x2  }
0x16f: {  	_ =	swait.ge [sflag:s2], $0x400  }
0x170: {  	[sflag:s2] =	ssyncset.done $0x0  }
0x171: {  	[sflag:s2] =	ssyncadd.s32 $0xFFFFFC00;
	_ =	sdelay $0x2  }
0x172: {  	_ =	swait.ge [sflag:s2], $0x400  }
0x173: {  	[sflag:s2] =	ssyncset.done $0x0  }
0x174: {  	[sflag:s2] =	ssyncadd.s32 $0xFFFFFC00;
	_ =	sdelay $0x2  }
0x175: {  	_ =	swait.ge [sflag:s2], $0x400  }
0x176: {  	[sflag:s2] =	ssyncset.done $0x0  }
0x177: {  	[sflag:s2] =	ssyncadd.s32 $0xFFFFFC00;
	_ =	sdelay $0x2  }
0x178: {  	_ =	swait.ge [sflag:s2], $0x400  }
0x179: {  	[sflag:s2] =	ssyncset.done $0x0  }
0x17a: {  	[sflag:s2] =	ssyncadd.s32 $0xFFFFFC00;
	_ =	sdelay $0x2  }
0x17b: {  	_ =	swait.ge [sflag:s2], $0x400  }
0x17c: {  	[sflag:s2] =	ssyncset.done $0x0  }
0x17d: {  	[sflag:s2] =	ssyncadd.s32 $0xFFFFFC00;
	_ =	sdelay $0x2  }
0x17e: {  	_ =	swait.ge [sflag:s2], $0x400  }
0x17f: {  	[sflag:s2] =	ssyncset.done $0x0  }
0x180: {  	[sflag:s2] =	ssyncadd.s32 $0xFFFFFC00;
	_ =	sdelay $0x2  }
0x181: {  	_ =	swait.ge [sflag:s2], $0x400  }
0x182: {  	[sflag:s2] =	ssyncset.done $0x0  }
0x183: {  	[sflag:s2] =	ssyncadd.s32 $0xFFFFFC00;
	_ =	sdelay $0x2  }
0x184: {  	_ =	swait.ge [sflag:s2], $0x400  }
0x185: {  	[sflag:s2] =	ssyncset.done $0x0  }
0x186: {  	[sflag:s2] =	ssyncadd.s32 $0xFFFFFC00;
	_ =	sdelay $0x2  }
0x187: {  	_ =	swait.ge [sflag:s2], $0x400  }
0x188: {  	[sflag:s2] =	ssyncset.done $0x0  }
0x189: {  	[sflag:s2] =	ssyncadd.s32 $0xFFFFFC00;
	_ =	sdelay $0x2  }
0x18a: {  	_ =	swait.ge [sflag:s2], $0x400  }
0x18b: {  	[sflag:s2] =	ssyncset.done $0x0  }
0x18c: {  	[sflag:s2] =	ssyncadd.s32 $0xFFFFFC00;
	_ =	sdelay $0x2  }
0x18d: {  	_ =	swait.ge [sflag:s2], $0x400  }
0x18e: {  	[sflag:s2] =	ssyncset.done $0x0  }
0x18f: {  	[sflag:s2] =	ssyncadd.s32 $0xFFFFFC00;
	_ =	sdelay $0x2  }
0x190: {  	_ =	swait.ge [sflag:s2], $0x400  }
0x191: {  	[sflag:s2] =	ssyncset.done $0x0  }
0x192: {  	[sflag:s2] =	ssyncadd.s32 $0xFFFFFC00;
	_ =	sdelay $0x2  }
0x193: {  	_ =	swait.ge [sflag:s2], $0x400  }
0x194: {  	[sflag:s2] =	ssyncset.done $0x0  }
0x195: {  	[sflag:s2] =	ssyncadd.s32 $0xFFFFFC00;
	_ =	sdelay $0x2  }
0x196: {  	_ =	swait.ge [sflag:s2], $0x400  }
0x197: {  	[sflag:s2] =	ssyncset.done $0x0  }
0x198: {  	[sflag:s2] =	ssyncadd.s32 $0xFFFFFC00;
	_ =	sdelay $0x2  }
0x199: {  	_ =	swait.ge [sflag:s2], $0x400  }
0x19a: {  	[sflag:s2] =	ssyncset.done $0x0  }
0x19b: {  	[sflag:s2] =	ssyncadd.s32 $0xFFFFFC00;
	_ =	sdelay $0x2  }
0x19c: {  	_ =	swait.ge [sflag:s2], $0x400  }
0x19d: {  	[sflag:s2] =	ssyncset.done $0x0  }
0x19e: {  	[sflag:s2] =	ssyncadd.s32 $0xFFFFFC00;
	_ =	sdelay $0x2  }
0x19f: {  	_ =	swait.ge [sflag:s2], $0x400  }
0x1a0: {  	[sflag:s2] =	ssyncset.done $0x0  }
0x1a1: {  	[sflag:s2] =	ssyncadd.s32 $0xFFFFFC00;
	_ =	sdelay $0x2  }
0x1a2: {  	_ =	swait.ge [sflag:s2], $0x400  }
0x1a3: {  	[sflag:s2] =	ssyncset.done $0x0  }
0x1a4: {  	[sflag:s2] =	ssyncadd.s32 $0xFFFFFC00;
	_ =	sdelay $0x2  }
0x1a5: {  	_ =	swait.ge [sflag:s2], $0x400  }
0x1a6: {  	[sflag:s2] =	ssyncset.done $0x0  }
0x1a7: {  	[sflag:s2] =	ssyncadd.s32 $0xFFFFFC00;
	_ =	sdelay $0x2  }
0x1a8: {  	_ =	swait.ge [sflag:s2], $0x400  }
0x1a9: {  	[sflag:s2] =	ssyncset.done $0x0  }
0x1aa: {  	[sflag:s2] =	ssyncadd.s32 $0xFFFFFC00;
	_ =	sdelay $0x2  }
0x1ab: {  	_ =	swait.ge [sflag:s2], $0x400  }
0x1ac: {  	[sflag:s2] =	ssyncset.done $0x0  }
0x1ad: {  	[sflag:s2] =	ssyncadd.s32 $0xFFFFFC00;
	_ =	sdelay $0x2  }
0x1ae: {  	_ =	swait.ge [sflag:s2], $0x400  }
0x1af: {  	[sflag:s2] =	ssyncset.done $0x0  }
0x1b0: {  	[sflag:s2] =	ssyncadd.s32 $0xFFFFFC00;
	_ =	sdelay $0x2  }
0x1b1: {  	_ =	swait.ge [sflag:s2], $0x400  }
0x1b2: {  	[sflag:s2] =	ssyncset.done $0x0  }
0x1b3: {  	[sflag:s2] =	ssyncadd.s32 $0xFFFFFC00;
	_ =	sdelay $0x2  }
0x1b4: {  	_ =	swait.ge [sflag:s2], $0x400  }
0x1b5: {  	[sflag:s2] =	ssyncset.done $0x0  }
0x1b6: {  	[sflag:s2] =	ssyncadd.s32 $0xFFFFFC00;
	_ =	sdelay $0x2  }
0x1b7: {  	_ =	swait.ge [sflag:s2], $0x400  }
0x1b8: {  	[sflag:s2] =	ssyncset.done $0x0  }
0x1b9: {  	[sflag:s2] =	ssyncadd.s32 $0xFFFFFC00;
	_ =	sdelay $0x2  }
0x1ba: {  	_ =	swait.ge [sflag:s2], $0x400  }
0x1bb: {  	[sflag:s2] =	ssyncset.done $0x0  }
0x1bc: {  	[sflag:s2] =	ssyncadd.s32 $0xFFFFFC00;
	_ =	sdelay $0x2  }
0x1bd: {  	_ =	swait.ge [sflag:s2], $0x400  }
0x1be: {  	[sflag:s2] =	ssyncset.done $0x0  }
0x1bf: {  	[sflag:s2] =	ssyncadd.s32 $0xFFFFFC00;
	_ =	sdelay $0x2  }
0x1c0: {  	_ =	swait.ge [sflag:s2], $0x400  }
0x1c1: {  	[sflag:s2] =	ssyncset.done $0x0  }
0x1c2: {  	[sflag:s2] =	ssyncadd.s32 $0xFFFFFC00;
	_ =	sdelay $0x2  }
0x1c3: {  	_ =	swait.ge [sflag:s2], $0x400  }
0x1c4: {  	[sflag:s2] =	ssyncset.done $0x0  }
0x1c5: {  	[sflag:s2] =	ssyncadd.s32 $0xFFFFFC00;
	_ =	sdelay $0x2  }
0x1c6: {  	_ =	swait.ge [sflag:s2], $0x400  }
0x1c7: {  	[sflag:s2] =	ssyncset.done $0x0  }
0x1c8: {  	[sflag:s2] =	ssyncadd.s32 $0xFFFFFC00;
	_ =	sdelay $0x2  }
0x1c9: {  	_ =	swait.ge [sflag:s2], $0x400  }
0x1ca: {  	[sflag:s2] =	ssyncset.done $0x0  }
0x1cb: {  	[sflag:s2] =	ssyncadd.s32 $0xFFFFFC00;
	_ =	sdelay $0x2  }
0x1cc: {  	_ =	swait.ge [sflag:s2], $0x400  }
0x1cd: {  	[sflag:s2] =	ssyncset.done $0x0  }
0x1ce: {  	[sflag:s2] =	ssyncadd.s32 $0xFFFFFC00;
	_ =	sdelay $0x2  }
0x1cf: {  	_ =	swait.ge [sflag:s2], $0x400  }
0x1d0: {  	[sflag:s2] =	ssyncset.done $0x0  }
0x1d1: {  	[sflag:s2] =	ssyncadd.s32 $0xFFFFFC00;
	_ =	sdelay $0x2  }
0x1d2: {  	_ =	swait.ge [sflag:s2], $0x400  }
0x1d3: {  	[sflag:s2] =	ssyncset.done $0x0  }
0x1d4: {  	[sflag:s2] =	ssyncadd.s32 $0xFFFFFC00;
	_ =	sdelay $0x2  }
0x1d5: {  	_ =	swait.ge [sflag:s2], $0x400  }
0x1d6: {  	[sflag:s2] =	ssyncset.done $0x0  }
0x1d7: {  	[sflag:s2] =	ssyncadd.s32 $0xFFFFFC00;
	_ =	sdelay $0x2  }
0x1d8: {  	_ =	swait.ge [sflag:s2], $0x400  }
0x1d9: {  	[sflag:s2] =	ssyncset.done $0x0  }
0x1da: {  	[sflag:s2] =	ssyncadd.s32 $0xFFFFFC00;
	_ =	sdelay $0x2  }
0x1db: {  	_ =	swait.ge [sflag:s2], $0x400  }
0x1dc: {  	[sflag:s2] =	ssyncset.done $0x0  }
0x1dd: {  	[sflag:s2] =	ssyncadd.s32 $0xFFFFFC00;
	_ =	sdelay $0x2  }
0x1de: {  	_ =	swait.ge [sflag:s2], $0x400  }
0x1df: {  	[sflag:s2] =	ssyncset.done $0x0  }
0x1e0: {  	[sflag:s2] =	ssyncadd.s32 $0xFFFFFC00;
	_ =	sdelay $0x2  }
0x1e1: {  	_ =	swait.ge [sflag:s2], $0x400  }
0x1e2: {  	[sflag:s2] =	ssyncset.done $0x0  }
0x1e3: {  	[sflag:s2] =	ssyncadd.s32 $0xFFFFFC00;
	_ =	sdelay $0x2  }
0x1e4: {  	_ =	swait.ge [sflag:s2], $0x400  }
0x1e5: {  	[sflag:s2] =	ssyncset.done $0x0  }
0x1e6: {  	[sflag:s2] =	ssyncadd.s32 $0xFFFFFC00;
	_ =	sdelay $0x2  }
0x1e7: {  	_ =	swait.ge [sflag:s2], $0x400  }
0x1e8: {  	[sflag:s2] =	ssyncset.done $0x0  }
0x1e9: {  	[sflag:s2] =	ssyncadd.s32 $0xFFFFFC00;
	_ =	sdelay $0x2  }
0x1ea: {  	_ =	swait.ge [sflag:s2], $0x400  }
0x1eb: {  	[sflag:s2] =	ssyncset.done $0x0  }
0x1ec: {  	[sflag:s2] =	ssyncadd.s32 $0xFFFFFC00;
	_ =	sdelay $0x2  }
0x1ed: {  	_ =	swait.ge [sflag:s2], $0x400  }
0x1ee: {  	[sflag:s2] =	ssyncset.done $0x0  }
0x1ef: {  	[sflag:s2] =	ssyncadd.s32 $0xFFFFFC00;
	_ =	sdelay $0x2  }
0x1f0: {  	_ =	swait.ge [sflag:s2], $0x400  }
0x1f1: {  	[sflag:s2] =	ssyncset.done $0x0  }
0x1f2: {  	[sflag:s2] =	ssyncadd.s32 $0xFFFFFC00;
	_ =	sdelay $0x2  }
0x1f3: {  	_ =	swait.ge [sflag:s2], $0x400  }
0x1f4: {  	[sflag:s2] =	ssyncset.done $0x0  }
0x1f5: {  	[sflag:s2] =	ssyncadd.s32 $0xFFFFFC00;
	_ =	sdelay $0x2  }
0x1f6: {  	_ =	swait.ge [sflag:s2], $0x400  }
0x1f7: {  	[sflag:s2] =	ssyncset.done $0x0  }
0x1f8: {  	[sflag:s2] =	ssyncadd.s32 $0xFFFFFC00;
	_ =	sdelay $0x2  }
0x1f9: {  	_ =	swait.ge [sflag:s2], $0x400  }
0x1fa: {  	[sflag:s2] =	ssyncset.done $0x0  }
0x1fb: {  	[sflag:s2] =	ssyncadd.s32 $0xFFFFFC00;
	_ =	sdelay $0x2  }
0x1fc: {  	_ =	swait.ge [sflag:s2], $0x400  }
0x1fd: {  	[sflag:s2] =	ssyncset.done $0x0  }
0x1fe: {  	[sflag:s2] =	ssyncadd.s32 $0xFFFFFC00;
	_ =	sdelay $0x2  }
0x1ff: {  	_ =	swait.ge [sflag:s2], $0x400  }
0x200: {  	[sflag:s2] =	ssyncset.done $0x0  }
0x201: {  	[sflag:s2] =	ssyncadd.s32 $0xFFFFFC00;
	_ =	sdelay $0x2  }
0x202: {  	_ =	swait.ge [sflag:s2], $0x400  }
0x203: {  	[sflag:s2] =	ssyncset.done $0x0  }
0x204: {  	[sflag:s2] =	ssyncadd.s32 $0xFFFFFC00;
	_ =	sdelay $0x2  }
0x205: {  	_ =	swait.ge [sflag:s2], $0x400  }
0x206: {  	[sflag:s2] =	ssyncset.done $0x0  }
0x207: {  	[sflag:s2] =	ssyncadd.s32 $0xFFFFFC00;
	_ =	sdelay $0x2  }
0x208: {  	_ =	swait.ge [sflag:s2], $0x400  }
0x209: {  	[sflag:s2] =	ssyncset.done $0x0  }
0x20a: {  	[sflag:s2] =	ssyncadd.s32 $0xFFFFFC00;
	_ =	sdelay $0x2  }
0x20b: {  	_ =	swait.ge [sflag:s2], $0x400  }
0x20c: {  	[sflag:s2] =	ssyncset.done $0x0  }
0x20d: {  	[sflag:s2] =	ssyncadd.s32 $0xFFFFFC00;
	_ =	sdelay $0x2  }
0x20e: {  	_ =	swait.ge [sflag:s2], $0x400  }
0x20f: {  	[sflag:s2] =	ssyncset.done $0x0  }
0x210: {  	[sflag:s2] =	ssyncadd.s32 $0xFFFFFC00;
	_ =	sdelay $0x2  }
0x211: {  	_ =	swait.ge [sflag:s2], $0x400  }
0x212: {  	[sflag:s2] =	ssyncset.done $0x0  }
0x213: {  	[sflag:s2] =	ssyncadd.s32 $0xFFFFFC00;
	_ =	sdelay $0x2  }
0x214: {  	_ =	swait.ge [sflag:s2], $0x400  }
0x215: {  	[sflag:s2] =	ssyncset.done $0x0  }
0x216: {  	[sflag:s2] =	ssyncadd.s32 $0xFFFFFC00;
	_ =	sdelay $0x2  }
0x217: {  	_ =	swait.ge [sflag:s2], $0x400  }
0x218: {  	[sflag:s2] =	ssyncset.done $0x0  }
0x219: {  	[sflag:s2] =	ssyncadd.s32 $0xFFFFFC00;
	_ =	sdelay $0x2  }
0x21a: {  	_ =	swait.ge [sflag:s2], $0x400  }
0x21b: {  	[sflag:s2] =	ssyncset.done $0x0  }
0x21c: {  	[sflag:s2] =	ssyncadd.s32 $0xFFFFFC00;
	_ =	sdelay $0x2  }
0x21d: {  	_ =	swait.ge [sflag:s2], $0x400  }
0x21e: {  	[sflag:s2] =	ssyncset.done $0x0  }
0x21f: {  	[sflag:s2] =	ssyncadd.s32 $0xFFFFFC00;
	_ =	sdelay $0x2  }
0x220: {  	_ =	swait.ge [sflag:s2], $0x400  }
0x221: {  	[sflag:s2] =	ssyncset.done $0x0  }
0x222: {  	[sflag:s2] =	ssyncadd.s32 $0xFFFFFC00;
	_ =	sdelay $0x2  }
0x223: {  	_ =	swait.ge [sflag:s2], $0x400  }
0x224: {  	[sflag:s2] =	ssyncset.done $0x0  }
0x225: {  	[sflag:s2] =	ssyncadd.s32 $0xFFFFFC00;
	_ =	sdelay $0x2  }
0x226: {  	_ =	swait.ge [sflag:s2], $0x400  }
0x227: {  	[sflag:s2] =	ssyncset.done $0x0  }
0x228: {  	[sflag:s2] =	ssyncadd.s32 $0xFFFFFC00;
	_ =	sdelay $0x2  }
0x229: {  	_ =	swait.ge [sflag:s2], $0x400  }
0x22a: {  	[sflag:s2] =	ssyncset.done $0x0  }
0x22b: {  	[sflag:s2] =	ssyncadd.s32 $0xFFFFFC00;
	_ =	sdelay $0x2  }
0x22c: {  	_ =	swait.ge [sflag:s2], $0x400  }
0x22d: {  	[sflag:s2] =	ssyncset.done $0x0  }
0x22e: {  	[sflag:s2] =	ssyncadd.s32 $0xFFFFFC00;
	_ =	sdelay $0x2  }
0x22f: {  	_ =	swait.ge [sflag:s2], $0x400  }
0x230: {  	[sflag:s2] =	ssyncset.done $0x0  }
0x231: {  	[sflag:s2] =	ssyncadd.s32 $0xFFFFFC00;
	_ =	sdelay $0x2  }
0x232: {  	_ =	swait.ge [sflag:s2], $0x400  }
0x233: {  	[sflag:s2] =	ssyncset.done $0x0  }
0x234: {  	[sflag:s2] =	ssyncadd.s32 $0xFFFFFC00;
	_ =	sdelay $0x2  }
0x235: {  	_ =	swait.ge [sflag:s2], $0x400  }
0x236: {  	[sflag:s2] =	ssyncset.done $0x0  }
0x237: {  	[sflag:s2] =	ssyncadd.s32 $0xFFFFFC00;
	_ =	sdelay $0x2  }
0x238: {  	_ =	swait.ge [sflag:s2], $0x400  }
0x239: {  	[sflag:s2] =	ssyncset.done $0x0  }
0x23a: {  	[sflag:s2] =	ssyncadd.s32 $0xFFFFFC00;
	_ =	sdelay $0x2  }
0x23b: {  	_ =	swait.ge [sflag:s2], $0x400  }
0x23c: {  	[sflag:s2] =	ssyncset.done $0x0  }
0x23d: {  	[sflag:s2] =	ssyncadd.s32 $0xFFFFFC00;
	_ =	sdelay $0x2  }
0x23e: {  	_ =	swait.ge [sflag:s2], $0x400  }
0x23f: {  	[sflag:s2] =	ssyncset.done $0x0  }
0x240: {  	[sflag:s2] =	ssyncadd.s32 $0xFFFFFC00;
	_ =	sdelay $0x2  }
0x241: {  	_ =	swait.ge [sflag:s2], $0x400  }
0x242: {  	[sflag:s2] =	ssyncset.done $0x0  }
0x243: {  	[sflag:s2] =	ssyncadd.s32 $0xFFFFFC00;
	_ =	sdelay $0x2  }
0x244: {  	_ =	swait.ge [sflag:s2], $0x400  }
0x245: {  	[sflag:s2] =	ssyncset.done $0x0  }
0x246: {  	[sflag:s2] =	ssyncadd.s32 $0xFFFFFC00;
	_ =	sdelay $0x2  }
0x247: {  	_ =	swait.ge [sflag:s2], $0x400  }
0x248: {  	[sflag:s2] =	ssyncset.done $0x0  }
0x249: {  	[sflag:s2] =	ssyncadd.s32 $0xFFFFFC00;
	_ =	sdelay $0x2  }
0x24a: {  	_ =	swait.ge [sflag:s2], $0x400  }
0x24b: {  	[sflag:s2] =	ssyncset.done $0x0  }
0x24c: {  	[sflag:s2] =	ssyncadd.s32 $0xFFFFFC00;
	_ =	sdelay $0x2  }
0x24d: {  	_ =	swait.ge [sflag:s2], $0x400  }
0x24e: {  	[sflag:s2] =	ssyncset.done $0x0  }
0x24f: {  	[sflag:s2] =	ssyncadd.s32 $0xFFFFFC00;
	_ =	sdelay $0x2  }
0x250: {  	_ =	swait.ge [sflag:s2], $0x400  }
0x251: {  	[sflag:s2] =	ssyncset.done $0x0  }
0x252: {  	[sflag:s2] =	ssyncadd.s32 $0xFFFFFC00;
	_ =	sdelay $0x2  }
0x253: {  	_ =	swait.ge [sflag:s2], $0x400  }
0x254: {  	[sflag:s2] =	ssyncset.done $0x0  }
0x255: {  	[sflag:s2] =	ssyncadd.s32 $0xFFFFFC00;
	_ =	sdelay $0x2  }
0x256: {  	_ =	swait.ge [sflag:s2], $0x400  }
0x257: {  	[sflag:s2] =	ssyncset.done $0x0  }
0x258: {  	[sflag:s2] =	ssyncadd.s32 $0xFFFFFC00;
	_ =	sdelay $0x2  }
0x259: {  	_ =	swait.ge [sflag:s2], $0x400  }
0x25a: {  	[sflag:s2] =	ssyncset.done $0x0  }
0x25b: {  	[sflag:s2] =	ssyncadd.s32 $0xFFFFFC00;
	_ =	sdelay $0x2  }
0x25c: {  	_ =	swait.ge [sflag:s2], $0x400  }
0x25d: {  	[sflag:s2] =	ssyncset.done $0x0  }
0x25e: {  	[sflag:s2] =	ssyncadd.s32 $0xFFFFFC00;
	_ =	sdelay $0x2  }
0x25f: {  	_ =	swait.ge [sflag:s2], $0x400  }
0x260: {  	[sflag:s2] =	ssyncset.done $0x0  }
0x261: {  	[sflag:s2] =	ssyncadd.s32 $0xFFFFFC00;
	_ =	sdelay $0x2  }
0x262: {  	_ =	swait.ge [sflag:s2], $0x400  }
0x263: {  	[sflag:s2] =	ssyncset.done $0x0  }
0x264: {  	[sflag:s2] =	ssyncadd.s32 $0xFFFFFC00;
	_ =	sdelay $0x2  }
0x265: {  	_ =	swait.ge [sflag:s2], $0x400  }
0x266: {  	[sflag:s2] =	ssyncset.done $0x0  }
0x267: {  	[sflag:s2] =	ssyncadd.s32 $0xFFFFFC00;
	_ =	sdelay $0x2  }
0x268: {  	_ =	swait.ge [sflag:s2], $0x400  }
0x269: {  	[sflag:s2] =	ssyncset.done $0x0  }
0x26a: {  	[sflag:s2] =	ssyncadd.s32 $0xFFFFFC00;
	_ =	sdelay $0x2  }
0x26b: {  	_ =	swait.ge [sflag:s2], $0x400  }
0x26c: {  	[sflag:s2] =	ssyncset.done $0x0  }
0x26d: {  	[sflag:s2] =	ssyncadd.s32 $0xFFFFFC00;
	_ =	sdelay $0x2  }
0x26e: {  	_ =	swait.ge [sflag:s2], $0x400  }
0x26f: {  	[sflag:s2] =	ssyncset.done $0x0  }
0x270: {  	[sflag:s2] =	ssyncadd.s32 $0xFFFFFC00;
	_ =	sdelay $0x2  }
0x271: {  	_ =	swait.ge [sflag:s2], $0x400  }
0x272: {  	[sflag:s2] =	ssyncset.done $0x0  }
0x273: {  	[sflag:s2] =	ssyncadd.s32 $0xFFFFFC00;
	_ =	sdelay $0x2  }
0x274: {  	_ =	swait.ge [sflag:s2], $0x400  }
0x275: {  	[sflag:s2] =	ssyncset.done $0x0  }
0x276: {  	[sflag:s2] =	ssyncadd.s32 $0xFFFFFC00;
	_ =	sdelay $0x2  }
0x277: {  	_ =	swait.ge [sflag:s2], $0x400  }
0x278: {  	[sflag:s2] =	ssyncset.done $0x0  }
0x279: {  	[sflag:s2] =	ssyncadd.s32 $0xFFFFFC00;
	_ =	sdelay $0x2  }
0x27a: {  	_ =	swait.ge [sflag:s2], $0x400  }
0x27b: {  	[sflag:s2] =	ssyncset.done $0x0  }
0x27c: {  	[sflag:s2] =	ssyncadd.s32 $0xFFFFFC00;
	_ =	sdelay $0x2  }
0x27d: {  	_ =	swait.ge [sflag:s2], $0x400  }
0x27e: {  	[sflag:s2] =	ssyncset.done $0x0  }
0x27f: {  	[sflag:s2] =	ssyncadd.s32 $0xFFFFFC00;
	_ =	sdelay $0x2  }
0x280: {  	_ =	swait.ge [sflag:s2], $0x400  }
0x281: {  	[sflag:s2] =	ssyncset.done $0x0  }
0x282: {  	[sflag:s2] =	ssyncadd.s32 $0xFFFFFC00;
	_ =	sdelay $0x2  }
0x283: {  	_ =	swait.ge [sflag:s2], $0x400  }
0x284: {  	[sflag:s2] =	ssyncset.done $0x0  }
0x285: {  	[sflag:s2] =	ssyncadd.s32 $0xFFFFFC00;
	_ =	sdelay $0x2  }
0x286: {  	_ =	swait.ge [sflag:s2], $0x400  }
0x287: {  	[sflag:s2] =	ssyncset.done $0x0  }
0x288: {  	[sflag:s2] =	ssyncadd.s32 $0xFFFFFC00;
	_ =	sdelay $0x2  }
0x289: {  	_ =	swait.ge [sflag:s2], $0x400  }
0x28a: {  	[sflag:s2] =	ssyncset.done $0x0  }
0x28b: {  	[sflag:s2] =	ssyncadd.s32 $0xFFFFFC00;
	_ =	sdelay $0x2  }
0x28c: {  	_ =	swait.ge [sflag:s2], $0x400  }
0x28d: {  	[sflag:s2] =	ssyncset.done $0x0  }
0x28e: {  	[sflag:s2] =	ssyncadd.s32 $0xFFFFFC00;
	_ =	sdelay $0x2  }
0x28f: {  	_ =	swait.ge [sflag:s2], $0x400  }
0x290: {  	[sflag:s2] =	ssyncset.done $0x0  }
0x291: {  	[sflag:s2] =	ssyncadd.s32 $0xFFFFFC00;
	_ =	sdelay $0x2  }
0x292: {  	_ =	swait.ge [sflag:s2], $0x400  }
0x293: {  	[sflag:s2] =	ssyncset.done $0x0  }
0x294: {  	[sflag:s2] =	ssyncadd.s32 $0xFFFFFC00;
	_ =	sdelay $0x2  }
0x295: {  	_ =	swait.ge [sflag:s2], $0x400  }
0x296: {  	[sflag:s2] =	ssyncset.done $0x0  }
0x297: {  	[sflag:s2] =	ssyncadd.s32 $0xFFFFFC00;
	_ =	sdelay $0x2  }
0x298: {  	_ =	swait.ge [sflag:s2], $0x400  }
0x299: {  	[sflag:s2] =	ssyncset.done $0x0  }
0x29a: {  	[sflag:s2] =	ssyncadd.s32 $0xFFFFFC00;
	_ =	sdelay $0x2  }
0x29b: {  	_ =	swait.ge [sflag:s2], $0x400  }
0x29c: {  	[sflag:s2] =	ssyncset.done $0x0  }
0x29d: {  	[sflag:s2] =	ssyncadd.s32 $0xFFFFFC00;
	_ =	sdelay $0x2  }
0x29e: {  	_ =	swait.ge [sflag:s2], $0x400  }
0x29f: {  	[sflag:s2] =	ssyncset.done $0x0  }
0x2a0: {  	[sflag:s2] =	ssyncadd.s32 $0xFFFFFC00;
	_ =	sdelay $0x2  }
0x2a1: {  	_ =	swait.ge [sflag:s2], $0x400  }
0x2a2: {  	[sflag:s2] =	ssyncset.done $0x0  }
0x2a3: {  	[sflag:s2] =	ssyncadd.s32 $0xFFFFFC00;
	_ =	sdelay $0x2  }
0x2a4: {  	_ =	swait.ge [sflag:s2], $0x400  }
0x2a5: {  	[sflag:s2] =	ssyncset.done $0x0  }
0x2a6: {  	[sflag:s2] =	ssyncadd.s32 $0xFFFFFC00;
	_ =	sdelay $0x2  }
0x2a7: {  	_ =	swait.ge [sflag:s2], $0x400  }
0x2a8: {  	[sflag:s2] =	ssyncset.done $0x0  }
0x2a9: {  	[sflag:s2] =	ssyncadd.s32 $0xFFFFFC00;
	_ =	sdelay $0x2  }
0x2aa: {  	_ =	swait.ge [sflag:s2], $0x400  }
0x2ab: {  	[sflag:s2] =	ssyncset.done $0x0  }
0x2ac: {  	[sflag:s2] =	ssyncadd.s32 $0xFFFFFC00;
	_ =	sdelay $0x2  }
0x2ad: {  	_ =	swait.ge [sflag:s2], $0x400  }
0x2ae: {  	[sflag:s2] =	ssyncset.done $0x0  }
0x2af: {  	[sflag:s2] =	ssyncadd.s32 $0xFFFFFC00;
	_ =	sdelay $0x2  }
0x2b0: {  	_ =	swait.ge [sflag:s2], $0x400  }
0x2b1: {  	[sflag:s2] =	ssyncset.done $0x0  }
0x2b2: {  	[sflag:s2] =	ssyncadd.s32 $0xFFFFFC00;
	_ =	sdelay $0x2  }
0x2b3: {  	_ =	swait.ge [sflag:s2], $0x400  }
0x2b4: {  	[sflag:s2] =	ssyncset.done $0x0  }
0x2b5: {  	[sflag:s2] =	ssyncadd.s32 $0xFFFFFC00;
	_ =	sdelay $0x2  }
0x2b6: {  	_ =	swait.ge [sflag:s2], $0x400  }
0x2b7: {  	[sflag:s2] =	ssyncset.done $0x0  }
0x2b8: {  	[sflag:s2] =	ssyncadd.s32 $0xFFFFFC00;
	_ =	sdelay $0x2  }
0x2b9: {  	_ =	swait.ge [sflag:s2], $0x400  }
0x2ba: {  	[sflag:s2] =	ssyncset.done $0x0  }
0x2bb: {  	[sflag:s2] =	ssyncadd.s32 $0xFFFFFC00;
	_ =	sdelay $0x2  }
0x2bc: {  	_ =	swait.ge [sflag:s2], $0x400  }
0x2bd: {  	[sflag:s2] =	ssyncset.done $0x0  }
0x2be: {  	[sflag:s2] =	ssyncadd.s32 $0xFFFFFC00;
	_ =	sdelay $0x2  }
0x2bf: {  	_ =	swait.ge [sflag:s2], $0x400  }
0x2c0: {  	[sflag:s2] =	ssyncset.done $0x0  }
0x2c1: {  	[sflag:s2] =	ssyncadd.s32 $0xFFFFFC00;
	_ =	sdelay $0x2  }
0x2c2: {  	_ =	swait.ge [sflag:s2], $0x400  }
0x2c3: {  	[sflag:s2] =	ssyncset.done $0x0  }
0x2c4: {  	[sflag:s2] =	ssyncadd.s32 $0xFFFFFC00;
	_ =	sdelay $0x2  }
0x2c5: {  	_ =	swait.ge [sflag:s2], $0x400  }
0x2c6: {  	[sflag:s2] =	ssyncset.done $0x0  }
0x2c7: {  	[sflag:s2] =	ssyncadd.s32 $0xFFFFFC00;
	_ =	sdelay $0x2  }
0x2c8: {  	_ =	swait.ge [sflag:s2], $0x400  }
0x2c9: {  	[sflag:s2] =	ssyncset.done $0x0  }
0x2ca: {  	[sflag:s2] =	ssyncadd.s32 $0xFFFFFC00;
	_ =	sdelay $0x2  }
0x2cb: {  	_ =	swait.ge [sflag:s2], $0x400  }
0x2cc: {  	[sflag:s2] =	ssyncset.done $0x0  }
0x2cd: {  	[sflag:s2] =	ssyncadd.s32 $0xFFFFFC00;
	_ =	sdelay $0x2  }
0x2ce: {  	_ =	swait.ge [sflag:s2], $0x400  }
0x2cf: {  	[sflag:s2] =	ssyncset.done $0x0  }
0x2d0: {  	[sflag:s2] =	ssyncadd.s32 $0xFFFFFC00;
	_ =	sdelay $0x2  }
0x2d1: {  	_ =	swait.ge [sflag:s2], $0x400  }
0x2d2: {  	[sflag:s2] =	ssyncset.done $0x0  }
0x2d3: {  	[sflag:s2] =	ssyncadd.s32 $0xFFFFFC00  }
0x2d4: {  	_ =	strace $0x90000046  }
0x2d5: {  	_ =	sfence  }
0x2d6: {  	s30 =	sld [smem:$0x0];
	_ =	sdelay $0x2  }
0x2d7: {  	s31 =	sshll.u32 s1, $0xD;
	s1 =	sshrl.u32 s1, $0x2  }
0x2d8: {  	s3 =	sand.u32 $0x4000, s31;
	s1 =	sadd.s32 s1, s30  }
0x2d9: {  	s0 =	sor.u32 s3, s0;
	s1 =	sshll.u32 s1, $0x11  }
0x2da: {  	s0 =	sor.u32 s1, s0  }
0x2db: {  	s0 =	sadd.s32 $0x8F2B, s0;
	(pc) =	sbr.abs _section_cstart, $3  }
0x2dc: {  	[sflag:s0] =	ssyncadd.remote.s32 $0x1  }
0x2dd: {  	_ =	strace $0x9FFFFFFF  }
0x2de: {  	(tm) =	ssettm $0x7FFFFFFF  }
0x2df: {  	_ =	shalt  }

</sc_bundles>
